<compile_context>
chip_gen: v7x
topology: tpu7x:2x2x1
jax: 0.10.2.dev20260603
libtpu: 0.0.44.dev20260713+nightly
codegen_flags: <defaults>
</compile_context>

<pallas_src>
import functools

import jax
import jax.numpy as jnp
from jax import lax
from jax.experimental import pallas as pl
from jax.experimental.pallas import tpu as pltpu
from jax.experimental.pallas import tpu_sc as plsc

F32 = jnp.float32

NC = 2
NS = 16
NW = NC * NS
CH = 128


def _cdiv(a, b):
    return (a + b - 1) // b




def _make_deg_kernel(npad, nchunk):
    rows_per_tile = npad // NS
    nz = rows_per_tile // CH
    mesh = plsc.VectorSubcoreMesh(core_axis_name="c", subcore_axis_name="s")

    @functools.partial(
        pl.kernel,
        mesh=mesh,
        out_type=jax.ShapeDtypeStruct((NC, npad, 16), F32),
        scratch_types=[
            pltpu.VMEM((nchunk, CH), jnp.int32),
            pltpu.VMEM((CH, 16), F32),
            pltpu.VMEM((CH, 16), F32),
            pltpu.VMEM_SHARED((npad, 16), F32),
        ],
    )
    def deg_kernel(dst_hbm, out_hbm, dst_v, ones_v, zero_v, deg_sh):
        cid = lax.axis_index("c")
        sid = lax.axis_index("s")
        wid = cid * NS + sid
        pltpu.sync_copy(dst_hbm.at[wid], dst_v)

        def fill(i, _):
            ones_v[i, :] = jnp.ones((16,), F32)
            zero_v[i, :] = jnp.zeros((16,), F32)
            return _

        lax.fori_loop(0, CH, fill, 0)
        base = sid * rows_per_tile
        for z in range(nz):
            pltpu.sync_copy(zero_v, deg_sh.at[pl.ds(base + z * CH, CH)])
        plsc.subcore_barrier()

        def body(j, _):
            pltpu.sync_copy(ones_v, deg_sh.at[dst_v.at[j]], add=True)
            return _

        lax.fori_loop(0, nchunk, body, 0)
        plsc.subcore_barrier()
        for z in range(nz):
            sl = pl.ds(base + z * CH, CH)
            pltpu.sync_copy(deg_sh.at[sl], out_hbm.at[cid, sl])

    return deg_kernel


def _make_edge_sum_kernel(npad, nchunk):
    rows_per_tile = npad // NS
    nz = rows_per_tile // CH
    mesh = plsc.VectorSubcoreMesh(core_axis_name="c", subcore_axis_name="s")

    @functools.partial(
        pl.kernel,
        mesh=mesh,
        out_type=jax.ShapeDtypeStruct((NC, npad, 128), F32),
        scratch_types=[
            pltpu.VMEM((nchunk, CH), jnp.int32),
            pltpu.VMEM((nchunk, CH), jnp.int32),
            pltpu.VMEM((CH, 128), F32),
            pltpu.VMEM_SHARED((npad, 128), F32),
        ],
    )
    def edge_kernel(y_hbm, src_hbm, dst_hbm, out_hbm, src_v, dst_v, rows_v, z_sh):
        cid = lax.axis_index("c")
        sid = lax.axis_index("s")
        wid = cid * NS + sid
        pltpu.sync_copy(src_hbm.at[wid], src_v)
        pltpu.sync_copy(dst_hbm.at[wid], dst_v)

        def zrow(i, _):
            for k in range(8):
                rows_v[i, pl.ds(k * 16, 16)] = jnp.zeros((16,), F32)
            return _

        lax.fori_loop(0, CH, zrow, 0)
        base = sid * rows_per_tile
        for z in range(nz):
            pltpu.sync_copy(rows_v, z_sh.at[pl.ds(base + z * CH, CH)])
        plsc.subcore_barrier()

        def body(j, _):
            pltpu.sync_copy(y_hbm.at[src_v.at[j]], rows_v)
            pltpu.sync_copy(rows_v, z_sh.at[dst_v.at[j]], add=True)
            return _

        lax.fori_loop(0, nchunk, body, 0)
        plsc.subcore_barrier()
        for z in range(nz):
            sl = pl.ds(base + z * CH, CH)
            pltpu.sync_copy(z_sh.at[sl], out_hbm.at[cid, sl])

    return edge_kernel



BLK = 1280


def _dinv_of(d0, d1):
    deg = d0[:, 0:1] + d1[:, 0:1] + 1.0
    return lax.rsqrt(deg)


def _tc1_body(x_ref, w_ref, d0_ref, d1_ref, y_ref):
    dinv = _dinv_of(d0_ref[...], d1_ref[...])
    xw = jnp.dot(x_ref[...], w_ref[...], preferred_element_type=F32)
    y_ref[...] = xw * dinv


def _tc2_body(z0_ref, z1_ref, y_ref, d0_ref, d1_ref, w_ref, b_ref, o_ref):
    dinv = _dinv_of(d0_ref[...], d1_ref[...])
    h = dinv * (z0_ref[...] + z1_ref[...] + y_ref[...]) + b_ref[...]
    h = jnp.maximum(h, 0.0)
    o_ref[...] = dinv * jnp.dot(h, w_ref[...], preferred_element_type=F32)


def _tc3_body(z0_ref, z1_ref, y_ref, d0_ref, d1_ref, b_ref, wfc_ref, bfc_ref,
              o_ref):
    dinv = _dinv_of(d0_ref[...], d1_ref[...])
    h = dinv * (z0_ref[...] + z1_ref[...] + y_ref[...]) + b_ref[...]
    h = jnp.maximum(h, 0.0)
    o_ref[...] = jnp.sum(h * wfc_ref[...], axis=1, keepdims=True) + bfc_ref[0, 0]


def _row_spec(w):
    return pl.BlockSpec((BLK, w), lambda i: (i, 0))


def _full_spec(shape):
    return pl.BlockSpec(shape, lambda i: (0,) * len(shape))




@jax.jit
def kernel(x, edge_index, W1, b1, W2, b2, Wfc, bfc):
    N, D = x.shape
    E = edge_index.shape[1]

    npad = 2048 * _cdiv(N + 1, 2048)
    nchunk = _cdiv(E, NW * CH)
    ew = nchunk * CH

    src = edge_index[0]
    dst = edge_index[1]
    pad = NW * ew - E
    src_p = jnp.concatenate([src, jnp.zeros((pad,), jnp.int32)]).reshape(NW, nchunk, CH)
    dst_p = jnp.concatenate([dst, jnp.full((pad,), N, jnp.int32)]).reshape(NW, nchunk, CH)

    x_pad = jnp.zeros((npad, D), F32).at[:N].set(x)

    deg_kernel = _make_deg_kernel(npad, nchunk)
    edge_kernel = _make_edge_sum_kernel(npad, nchunk)

    degp = deg_kernel(dst_p)
    d0, d1 = degp[0], degp[1]

    grid = (npad // BLK,)
    y1 = pl.pallas_call(
        _tc1_body,
        grid=grid,
        in_specs=[_row_spec(D), _full_spec((D, D)), _row_spec(16), _row_spec(16)],
        out_specs=_row_spec(D),
        out_shape=jax.ShapeDtypeStruct((npad, D), F32),
    )(x_pad, W1, d0, d1)

    zp1 = edge_kernel(y1, src_p, dst_p)

    y2 = pl.pallas_call(
        _tc2_body,
        grid=grid,
        in_specs=[_row_spec(D), _row_spec(D), _row_spec(D), _row_spec(16),
                  _row_spec(16), _full_spec((D, D)), _full_spec((1, D))],
        out_specs=_row_spec(D),
        out_shape=jax.ShapeDtypeStruct((npad, D), F32),
    )(zp1[0], zp1[1], y1, d0, d1, W2, b1.reshape(1, D))

    zp2 = edge_kernel(y2, src_p, dst_p)

    logits = pl.pallas_call(
        _tc3_body,
        grid=grid,
        in_specs=[_row_spec(D), _row_spec(D), _row_spec(D), _row_spec(16),
                  _row_spec(16), _full_spec((1, D)), _full_spec((1, D)),
                  _full_spec((1, 1))],
        out_specs=_row_spec(1),
        out_shape=jax.ShapeDtypeStruct((npad, 1), F32),
    )(zp2[0], zp2[1], y2, d0, d1, b2.reshape(1, D), Wfc.reshape(1, D),
      bfc.reshape(1, 1))

    return logits[:N, 0]

# --- scband reference (transcript-rebuilt; emitter-appended) ---
"""Pipeline reference for scband-gcn-45973329936467 (READ-ONLY COPY).

The authoritative reference and input builder live on the scoring server;
editing this copy changes nothing except your own understanding.
"""

import jax, jax.numpy as jnp
import numpy as np


def _gcn_conv(x, edge_index, W, b):
    # Faithful GCNConv (PyG defaults): add self-loops + symmetric normalization
    N = x.shape[0]
    src = edge_index[0]
    dst = edge_index[1]
    loop = jnp.arange(N, dtype=src.dtype)
    row = jnp.concatenate([src, loop])
    col = jnp.concatenate([dst, loop])
    xw = x @ W
    ones = jnp.ones(row.shape[0], dtype=x.dtype)
    deg = jax.ops.segment_sum(ones, col, num_segments=N)
    dinv = jnp.where(deg > 0, 1.0 / jnp.sqrt(deg), 0.0)
    norm = dinv[row] * dinv[col]
    msg = xw[row] * norm[:, None]
    out = jax.ops.segment_sum(msg, col, num_segments=N)
    return out + b


def setup_inputs(seed: int = 0) -> dict:
    key = jax.random.key(seed)
    ks = jax.random.split(key, 8)
    N, D, H = 10000, 128, 128
    E = 320000
    x = jax.random.normal(ks[0], (N, D), dtype=jnp.float32)
    edge_index = jax.random.randint(ks[1], (2, E), 0, N, dtype=jnp.int32)
    W1 = jax.random.normal(ks[2], (D, H), dtype=jnp.float32) * (1.0 / np.sqrt(D))
    b1 = jnp.zeros((H,), dtype=jnp.float32)
    W2 = jax.random.normal(ks[3], (H, H), dtype=jnp.float32) * (1.0 / np.sqrt(H))
    b2 = jnp.zeros((H,), dtype=jnp.float32)
    Wfc = jax.random.normal(ks[4], (H, 1), dtype=jnp.float32) * (1.0 / np.sqrt(H))
    bfc = jnp.zeros((1,), dtype=jnp.float32)
    return {"x": x, "edge_index": edge_index, "W1": W1, "b1": b1, "W2": W2, "b2": b2, "Wfc": Wfc, "bfc": bfc}


def reference(x, edge_index, W1, b1, W2, b2, Wfc, bfc):
    # eval mode: dropout is identity; use_smote=False path
    h = jax.nn.relu(_gcn_conv(x, edge_index, W1, b1))
    h = jax.nn.relu(_gcn_conv(h, edge_index, W2, b2))
    logits = (h @ Wfc + bfc).reshape(-1)
    return logits

if __name__ == "__main__":
    import jax
    _d = setup_inputs()
    print(jax.jit(kernel)(*tuple(_d.values())))

</pallas_src>

<mosaic_0001>
#map = affine_map<(d0, d1) -> (0, 0)>
#map1 = affine_map<(d0, d1) -> (0, 0, 0)>
module attributes {stable_mosaic.version = 14 : i64} {
  func.func @edge_kernel(%arg0: i32, %arg1: i32, %arg2: memref<10240x128xf32, #tpu.memory_space<hbm>>, %arg3: memref<32x79x128xi32, #tpu.memory_space<hbm>>, %arg4: memref<32x79x128xi32, #tpu.memory_space<hbm>>, %arg5: memref<2x10240x128xf32, #tpu.memory_space<hbm>>, %arg6: memref<79x128xi32, #tpu.memory_space<vmem>>, %arg7: memref<79x128xi32, #tpu.memory_space<vmem>>, %arg8: memref<128x128xf32, #tpu.memory_space<vmem>>, %arg9: memref<10240x128xf32, #tpu.memory_space<vmem_shared>>) attributes {dimension_semantics = [#tpu.dimension_semantics<core_parallel>, #tpu.dimension_semantics<subcore_parallel>], iteration_bounds = array<i64: 2, 16>, scalar_prefetch = 0 : i64, scratch_operands = 4 : i64, tpu.core_type = #tpu.core_type<sc_vector_subcore>, window_params = [{transform_indices = #map}, {transform_indices = #map1}, {transform_indices = #map1}, {transform_indices = #map1}]} {
    %mul3A = arith.constant 16 : i32
    %mul3A_0 = arith.muli %arg0, %mul3A : i32
    %add3A = arith.addi %mul3A_0, %arg1 : i32
    "tpu.region"() ({
      %run_scoped3A = tpu.sem_alloc : memref<!tpu.dma_semaphore, #tpu.memory_space<semaphore_mem>>
      %dma_start3A = arith.constant 0 : i32
      %dma_start3A_35 = arith.constant 0 : i32
      %dma_start3A_36 = tpu.memref_slice %arg3[%add3A, %dma_start3A, %dma_start3A_35] : memref<32x79x128xi32, #tpu.memory_space<hbm>> -> memref<1x79x128xi32, #tpu.memory_space<hbm>>
      %dma_start3A_37 = tpu.memref_squeeze %dma_start3A_36 : memref<1x79x128xi32, #tpu.memory_space<hbm>> -> memref<79x128xi32, #tpu.memory_space<hbm>>
      %dma_start3A_38 = arith.constant 0 : i32
      %dma_start3A_39 = arith.constant 0 : i32
      %dma_start3A_40 = tpu.memref_slice %arg3[%add3A, %dma_start3A_38, %dma_start3A_39] : memref<32x79x128xi32, #tpu.memory_space<hbm>> -> memref<1x79x128xi32, #tpu.memory_space<hbm>>
      %dma_start3A_41 = tpu.memref_squeeze %dma_start3A_40 : memref<1x79x128xi32, #tpu.memory_space<hbm>> -> memref<79x128xi32, #tpu.memory_space<hbm>>
      tpu.enqueue_dma source(%dma_start3A_41 : memref<79x128xi32, #tpu.memory_space<hbm>>) target(%arg6 : memref<79x128xi32, #tpu.memory_space<vmem>>) target_semaphore(%run_scoped3A : memref<!tpu.dma_semaphore, #tpu.memory_space<semaphore_mem>>)
      %dma_wait3A = arith.constant 0 : i32
      %dma_wait3A_42 = arith.constant 0 : i32
      %dma_wait3A_43 = tpu.memref_slice %arg3[%add3A, %dma_wait3A, %dma_wait3A_42] : memref<32x79x128xi32, #tpu.memory_space<hbm>> -> memref<1x79x128xi32, #tpu.memory_space<hbm>>
      %dma_wait3A_44 = tpu.memref_squeeze %dma_wait3A_43 : memref<1x79x128xi32, #tpu.memory_space<hbm>> -> memref<79x128xi32, #tpu.memory_space<hbm>>
      %dma_wait3A_45 = arith.constant 0 : i32
      %dma_wait3A_46 = arith.constant 0 : i32
      %dma_wait3A_47 = tpu.memref_slice %arg3[%add3A, %dma_wait3A_45, %dma_wait3A_46] : memref<32x79x128xi32, #tpu.memory_space<hbm>> -> memref<1x79x128xi32, #tpu.memory_space<hbm>>
      %dma_wait3A_48 = tpu.memref_squeeze %dma_wait3A_47 : memref<1x79x128xi32, #tpu.memory_space<hbm>> -> memref<79x128xi32, #tpu.memory_space<hbm>>
      tpu.wait_dma2 semaphore(%run_scoped3A : memref<!tpu.dma_semaphore, #tpu.memory_space<semaphore_mem>>) src(%dma_wait3A_48 : memref<79x128xi32, #tpu.memory_space<hbm>>) dst(%arg6 : memref<79x128xi32, #tpu.memory_space<vmem>>)
      tpu.yield
    }) : () -> ()
    "tpu.region"() ({
      %run_scoped3A = tpu.sem_alloc : memref<!tpu.dma_semaphore, #tpu.memory_space<semaphore_mem>>
      %dma_start3A = arith.constant 0 : i32
      %dma_start3A_35 = arith.constant 0 : i32
      %dma_start3A_36 = tpu.memref_slice %arg4[%add3A, %dma_start3A, %dma_start3A_35] : memref<32x79x128xi32, #tpu.memory_space<hbm>> -> memref<1x79x128xi32, #tpu.memory_space<hbm>>
      %dma_start3A_37 = tpu.memref_squeeze %dma_start3A_36 : memref<1x79x128xi32, #tpu.memory_space<hbm>> -> memref<79x128xi32, #tpu.memory_space<hbm>>
      %dma_start3A_38 = arith.constant 0 : i32
      %dma_start3A_39 = arith.constant 0 : i32
      %dma_start3A_40 = tpu.memref_slice %arg4[%add3A, %dma_start3A_38, %dma_start3A_39] : memref<32x79x128xi32, #tpu.memory_space<hbm>> -> memref<1x79x128xi32, #tpu.memory_space<hbm>>
      %dma_start3A_41 = tpu.memref_squeeze %dma_start3A_40 : memref<1x79x128xi32, #tpu.memory_space<hbm>> -> memref<79x128xi32, #tpu.memory_space<hbm>>
      tpu.enqueue_dma source(%dma_start3A_41 : memref<79x128xi32, #tpu.memory_space<hbm>>) target(%arg7 : memref<79x128xi32, #tpu.memory_space<vmem>>) target_semaphore(%run_scoped3A : memref<!tpu.dma_semaphore, #tpu.memory_space<semaphore_mem>>)
      %dma_wait3A = arith.constant 0 : i32
      %dma_wait3A_42 = arith.constant 0 : i32
      %dma_wait3A_43 = tpu.memref_slice %arg4[%add3A, %dma_wait3A, %dma_wait3A_42] : memref<32x79x128xi32, #tpu.memory_space<hbm>> -> memref<1x79x128xi32, #tpu.memory_space<hbm>>
      %dma_wait3A_44 = tpu.memref_squeeze %dma_wait3A_43 : memref<1x79x128xi32, #tpu.memory_space<hbm>> -> memref<79x128xi32, #tpu.memory_space<hbm>>
      %dma_wait3A_45 = arith.constant 0 : i32
      %dma_wait3A_46 = arith.constant 0 : i32
      %dma_wait3A_47 = tpu.memref_slice %arg4[%add3A, %dma_wait3A_45, %dma_wait3A_46] : memref<32x79x128xi32, #tpu.memory_space<hbm>> -> memref<1x79x128xi32, #tpu.memory_space<hbm>>
      %dma_wait3A_48 = tpu.memref_squeeze %dma_wait3A_47 : memref<1x79x128xi32, #tpu.memory_space<hbm>> -> memref<79x128xi32, #tpu.memory_space<hbm>>
      tpu.wait_dma2 semaphore(%run_scoped3A : memref<!tpu.dma_semaphore, #tpu.memory_space<semaphore_mem>>) src(%dma_wait3A_48 : memref<79x128xi32, #tpu.memory_space<hbm>>) dst(%arg7 : memref<79x128xi32, #tpu.memory_space<vmem>>)
      tpu.yield
    }) : () -> ()
    %scan3A = arith.constant 0 : i32
    %scan3A_1 = arith.constant 0 : i32
    %scan3A_2 = arith.constant 128 : i32
    %scan3A_3 = arith.addi %scan3A_1, %scan3A_2 : i32
    %scan3A_4 = arith.constant 1 : i32
    scf.for %scan3A_35 = %scan3A_1 to %scan3A_3 step %scan3A_4  : i32 {
      %broadcast_in_dim3A = arith.constant 0.000000e+00 : f32
      %broadcast_in_dim3A_36 = vector.broadcast %broadcast_in_dim3A : f32 to vector<16xf32>
      %swap3A = arith.index_cast %scan3A_35 : i32 to index
      %swap3A_37 = arith.constant 0 : index
      %swap3A_38 = tpu.vector_load %arg8[%swap3A, %swap3A_37] {strides = array<i32>} : memref<128x128xf32, #tpu.memory_space<vmem>>, vector<1x16xf32>,
      %swap3A_39 = vector.shape_cast %swap3A_38 : vector<1x16xf32> to vector<16xf32>
      %swap3A_40 = vector.shape_cast %broadcast_in_dim3A_36 : vector<16xf32> to vector<1x16xf32>
      tpu.vector_store %arg8[%swap3A, %swap3A_37], %swap3A_40 {strides = array<i32>} : memref<128x128xf32, #tpu.memory_space<vmem>>, vector<1x16xf32>,
      %broadcast_in_dim3A_41 = arith.constant 0.000000e+00 : f32
      %broadcast_in_dim3A_42 = vector.broadcast %broadcast_in_dim3A_41 : f32 to vector<16xf32>
      %swap3A_43 = arith.index_cast %scan3A_35 : i32 to index
      %swap3A_44 = arith.constant 16 : index
      %swap3A_45 = tpu.vector_load %arg8[%swap3A_43, %swap3A_44] {strides = array<i32>} : memref<128x128xf32, #tpu.memory_space<vmem>>, vector<1x16xf32>,
      %swap3A_46 = vector.shape_cast %swap3A_45 : vector<1x16xf32> to vector<16xf32>
      %swap3A_47 = vector.shape_cast %broadcast_in_dim3A_42 : vector<16xf32> to vector<1x16xf32>
      tpu.vector_store %arg8[%swap3A_43, %swap3A_44], %swap3A_47 {strides = array<i32>} : memref<128x128xf32, #tpu.memory_space<vmem>>, vector<1x16xf32>,
      %broadcast_in_dim3A_48 = arith.constant 0.000000e+00 : f32
      %broadcast_in_dim3A_49 = vector.broadcast %broadcast_in_dim3A_48 : f32 to vector<16xf32>
      %swap3A_50 = arith.index_cast %scan3A_35 : i32 to index
      %swap3A_51 = arith.constant 32 : index
      %swap3A_52 = tpu.vector_load %arg8[%swap3A_50, %swap3A_51] {strides = array<i32>} : memref<128x128xf32, #tpu.memory_space<vmem>>, vector<1x16xf32>,
      %swap3A_53 = vector.shape_cast %swap3A_52 : vector<1x16xf32> to vector<16xf32>
      %swap3A_54 = vector.shape_cast %broadcast_in_dim3A_49 : vector<16xf32> to vector<1x16xf32>
      tpu.vector_store %arg8[%swap3A_50, %swap3A_51], %swap3A_54 {strides = array<i32>} : memref<128x128xf32, #tpu.memory_space<vmem>>, vector<1x16xf32>,
      %broadcast_in_dim3A_55 = arith.constant 0.000000e+00 : f32
      %broadcast_in_dim3A_56 = vector.broadcast %broadcast_in_dim3A_55 : f32 to vector<16xf32>
      %swap3A_57 = arith.index_cast %scan3A_35 : i32 to index
      %swap3A_58 = arith.constant 48 : index
      %swap3A_59 = tpu.vector_load %arg8[%swap3A_57, %swap3A_58] {strides = array<i32>} : memref<128x128xf32, #tpu.memory_space<vmem>>, vector<1x16xf32>,
      %swap3A_60 = vector.shape_cast %swap3A_59 : vector<1x16xf32> to vector<16xf32>
      %swap3A_61 = vector.shape_cast %broadcast_in_dim3A_56 : vector<16xf32> to vector<1x16xf32>
      tpu.vector_store %arg8[%swap3A_57, %swap3A_58], %swap3A_61 {strides = array<i32>} : memref<128x128xf32, #tpu.memory_space<vmem>>, vector<1x16xf32>,
      %broadcast_in_dim3A_62 = arith.constant 0.000000e+00 : f32
      %broadcast_in_dim3A_63 = vector.broadcast %broadcast_in_dim3A_62 : f32 to vector<16xf32>
      %swap3A_64 = arith.index_cast %scan3A_35 : i32 to index
      %swap3A_65 = arith.constant 64 : index
      %swap3A_66 = tpu.vector_load %arg8[%swap3A_64, %swap3A_65] {strides = array<i32>} : memref<128x128xf32, #tpu.memory_space<vmem>>, vector<1x16xf32>,
      %swap3A_67 = vector.shape_cast %swap3A_66 : vector<1x16xf32> to vector<16xf32>
      %swap3A_68 = vector.shape_cast %broadcast_in_dim3A_63 : vector<16xf32> to vector<1x16xf32>
      tpu.vector_store %arg8[%swap3A_64, %swap3A_65], %swap3A_68 {strides = array<i32>} : memref<128x128xf32, #tpu.memory_space<vmem>>, vector<1x16xf32>,
      %broadcast_in_dim3A_69 = arith.constant 0.000000e+00 : f32
      %broadcast_in_dim3A_70 = vector.broadcast %broadcast_in_dim3A_69 : f32 to vector<16xf32>
      %swap3A_71 = arith.index_cast %scan3A_35 : i32 to index
      %swap3A_72 = arith.constant 80 : index
      %swap3A_73 = tpu.vector_load %arg8[%swap3A_71, %swap3A_72] {strides = array<i32>} : memref<128x128xf32, #tpu.memory_space<vmem>>, vector<1x16xf32>,
      %swap3A_74 = vector.shape_cast %swap3A_73 : vector<1x16xf32> to vector<16xf32>
      %swap3A_75 = vector.shape_cast %broadcast_in_dim3A_70 : vector<16xf32> to vector<1x16xf32>
      tpu.vector_store %arg8[%swap3A_71, %swap3A_72], %swap3A_75 {strides = array<i32>} : memref<128x128xf32, #tpu.memory_space<vmem>>, vector<1x16xf32>,
      %broadcast_in_dim3A_76 = arith.constant 0.000000e+00 : f32
      %broadcast_in_dim3A_77 = vector.broadcast %broadcast_in_dim3A_76 : f32 to vector<16xf32>
      %swap3A_78 = arith.index_cast %scan3A_35 : i32 to index
      %swap3A_79 = arith.constant 96 : index
      %swap3A_80 = tpu.vector_load %arg8[%swap3A_78, %swap3A_79] {strides = array<i32>} : memref<128x128xf32, #tpu.memory_space<vmem>>, vector<1x16xf32>,
      %swap3A_81 = vector.shape_cast %swap3A_80 : vector<1x16xf32> to vector<16xf32>
      %swap3A_82 = vector.shape_cast %broadcast_in_dim3A_77 : vector<16xf32> to vector<1x16xf32>
      tpu.vector_store %arg8[%swap3A_78, %swap3A_79], %swap3A_82 {strides = array<i32>} : memref<128x128xf32, #tpu.memory_space<vmem>>, vector<1x16xf32>,
      %broadcast_in_dim3A_83 = arith.constant 0.000000e+00 : f32
      %broadcast_in_dim3A_84 = vector.broadcast %broadcast_in_dim3A_83 : f32 to vector<16xf32>
      %swap3A_85 = arith.index_cast %scan3A_35 : i32 to index
      %swap3A_86 = arith.constant 112 : index
      %swap3A_87 = tpu.vector_load %arg8[%swap3A_85, %swap3A_86] {strides = array<i32>} : memref<128x128xf32, #tpu.memory_space<vmem>>, vector<1x16xf32>,
      %swap3A_88 = vector.shape_cast %swap3A_87 : vector<1x16xf32> to vector<16xf32>
      %swap3A_89 = vector.shape_cast %broadcast_in_dim3A_84 : vector<16xf32> to vector<1x16xf32>
      tpu.vector_store %arg8[%swap3A_85, %swap3A_86], %swap3A_89 {strides = array<i32>} : memref<128x128xf32, #tpu.memory_space<vmem>>, vector<1x16xf32>,
    }
    %scan3A_5 = arith.constant 128 : i32
    %mul3A_6 = arith.constant 640 : i32
    %mul3A_7 = arith.muli %arg1, %mul3A_6 : i32
    %add3A_8 = arith.constant 0 : i32
    %add3A_9 = arith.addi %mul3A_7, %add3A_8 : i32
    "tpu.region"() ({
      %run_scoped3A = tpu.sem_alloc : memref<!tpu.dma_semaphore, #tpu.memory_space<semaphore_mem>>
      %dma_start3A = arith.constant 0 : i32
      %dma_start3A_35 = tpu.memref_slice %arg9[%add3A_9, %dma_start3A] : memref<10240x128xf32, #tpu.memory_space<vmem_shared>> -> memref<128x128xf32, #tpu.memory_space<vmem_shared>>
      %dma_start3A_36 = arith.constant 0 : i32
      %dma_start3A_37 = tpu.memref_slice %arg9[%add3A_9, %dma_start3A_36] : memref<10240x128xf32, #tpu.memory_space<vmem_shared>> -> memref<128x128xf32, #tpu.memory_space<vmem_shared>>
      tpu.enqueue_dma source(%arg8 : memref<128x128xf32, #tpu.memory_space<vmem>>) target(%dma_start3A_37 : memref<128x128xf32, #tpu.memory_space<vmem_shared>>) target_semaphore(%run_scoped3A : memref<!tpu.dma_semaphore, #tpu.memory_space<semaphore_mem>>)
      %dma_wait3A = arith.constant 0 : i32
      %dma_wait3A_38 = tpu.memref_slice %arg9[%add3A_9, %dma_wait3A] : memref<10240x128xf32, #tpu.memory_space<vmem_shared>> -> memref<128x128xf32, #tpu.memory_space<vmem_shared>>
      %dma_wait3A_39 = arith.constant 0 : i32
      %dma_wait3A_40 = tpu.memref_slice %arg9[%add3A_9, %dma_wait3A_39] : memref<10240x128xf32, #tpu.memory_space<vmem_shared>> -> memref<128x128xf32, #tpu.memory_space<vmem_shared>>
      tpu.wait_dma2 semaphore(%run_scoped3A : memref<!tpu.dma_semaphore, #tpu.memory_space<semaphore_mem>>) src(%arg8 : memref<128x128xf32, #tpu.memory_space<vmem>>) dst(%dma_wait3A_40 : memref<128x128xf32, #tpu.memory_space<vmem_shared>>)
      tpu.yield
    }) : () -> ()
    %add3A_10 = arith.constant 128 : i32
    %add3A_11 = arith.addi %mul3A_7, %add3A_10 : i32
    "tpu.region"() ({
      %run_scoped3A = tpu.sem_alloc : memref<!tpu.dma_semaphore, #tpu.memory_space<semaphore_mem>>
      %dma_start3A = arith.constant 0 : i32
      %dma_start3A_35 = tpu.memref_slice %arg9[%add3A_11, %dma_start3A] : memref<10240x128xf32, #tpu.memory_space<vmem_shared>> -> memref<128x128xf32, #tpu.memory_space<vmem_shared>>
      %dma_start3A_36 = arith.constant 0 : i32
      %dma_start3A_37 = tpu.memref_slice %arg9[%add3A_11, %dma_start3A_36] : memref<10240x128xf32, #tpu.memory_space<vmem_shared>> -> memref<128x128xf32, #tpu.memory_space<vmem_shared>>
      tpu.enqueue_dma source(%arg8 : memref<128x128xf32, #tpu.memory_space<vmem>>) target(%dma_start3A_37 : memref<128x128xf32, #tpu.memory_space<vmem_shared>>) target_semaphore(%run_scoped3A : memref<!tpu.dma_semaphore, #tpu.memory_space<semaphore_mem>>)
      %dma_wait3A = arith.constant 0 : i32
      %dma_wait3A_38 = tpu.memref_slice %arg9[%add3A_11, %dma_wait3A] : memref<10240x128xf32, #tpu.memory_space<vmem_shared>> -> memref<128x128xf32, #tpu.memory_space<vmem_shared>>
      %dma_wait3A_39 = arith.constant 0 : i32
      %dma_wait3A_40 = tpu.memref_slice %arg9[%add3A_11, %dma_wait3A_39] : memref<10240x128xf32, #tpu.memory_space<vmem_shared>> -> memref<128x128xf32, #tpu.memory_space<vmem_shared>>
      tpu.wait_dma2 semaphore(%run_scoped3A : memref<!tpu.dma_semaphore, #tpu.memory_space<semaphore_mem>>) src(%arg8 : memref<128x128xf32, #tpu.memory_space<vmem>>) dst(%dma_wait3A_40 : memref<128x128xf32, #tpu.memory_space<vmem_shared>>)
      tpu.yield
    }) : () -> ()
    %add3A_12 = arith.constant 256 : i32
    %add3A_13 = arith.addi %mul3A_7, %add3A_12 : i32
    "tpu.region"() ({
      %run_scoped3A = tpu.sem_alloc : memref<!tpu.dma_semaphore, #tpu.memory_space<semaphore_mem>>
      %dma_start3A = arith.constant 0 : i32
      %dma_start3A_35 = tpu.memref_slice %arg9[%add3A_13, %dma_start3A] : memref<10240x128xf32, #tpu.memory_space<vmem_shared>> -> memref<128x128xf32, #tpu.memory_space<vmem_shared>>
      %dma_start3A_36 = arith.constant 0 : i32
      %dma_start3A_37 = tpu.memref_slice %arg9[%add3A_13, %dma_start3A_36] : memref<10240x128xf32, #tpu.memory_space<vmem_shared>> -> memref<128x128xf32, #tpu.memory_space<vmem_shared>>
      tpu.enqueue_dma source(%arg8 : memref<128x128xf32, #tpu.memory_space<vmem>>) target(%dma_start3A_37 : memref<128x128xf32, #tpu.memory_space<vmem_shared>>) target_semaphore(%run_scoped3A : memref<!tpu.dma_semaphore, #tpu.memory_space<semaphore_mem>>)
      %dma_wait3A = arith.constant 0 : i32
      %dma_wait3A_38 = tpu.memref_slice %arg9[%add3A_13, %dma_wait3A] : memref<10240x128xf32, #tpu.memory_space<vmem_shared>> -> memref<128x128xf32, #tpu.memory_space<vmem_shared>>
      %dma_wait3A_39 = arith.constant 0 : i32
      %dma_wait3A_40 = tpu.memref_slice %arg9[%add3A_13, %dma_wait3A_39] : memref<10240x128xf32, #tpu.memory_space<vmem_shared>> -> memref<128x128xf32, #tpu.memory_space<vmem_shared>>
      tpu.wait_dma2 semaphore(%run_scoped3A : memref<!tpu.dma_semaphore, #tpu.memory_space<semaphore_mem>>) src(%arg8 : memref<128x128xf32, #tpu.memory_space<vmem>>) dst(%dma_wait3A_40 : memref<128x128xf32, #tpu.memory_space<vmem_shared>>)
      tpu.yield
    }) : () -> ()
    %add3A_14 = arith.constant 384 : i32
    %add3A_15 = arith.addi %mul3A_7, %add3A_14 : i32
    "tpu.region"() ({
      %run_scoped3A = tpu.sem_alloc : memref<!tpu.dma_semaphore, #tpu.memory_space<semaphore_mem>>
      %dma_start3A = arith.constant 0 : i32
      %dma_start3A_35 = tpu.memref_slice %arg9[%add3A_15, %dma_start3A] : memref<10240x128xf32, #tpu.memory_space<vmem_shared>> -> memref<128x128xf32, #tpu.memory_space<vmem_shared>>
      %dma_start3A_36 = arith.constant 0 : i32
      %dma_start3A_37 = tpu.memref_slice %arg9[%add3A_15, %dma_start3A_36] : memref<10240x128xf32, #tpu.memory_space<vmem_shared>> -> memref<128x128xf32, #tpu.memory_space<vmem_shared>>
      tpu.enqueue_dma source(%arg8 : memref<128x128xf32, #tpu.memory_space<vmem>>) target(%dma_start3A_37 : memref<128x128xf32, #tpu.memory_space<vmem_shared>>) target_semaphore(%run_scoped3A : memref<!tpu.dma_semaphore, #tpu.memory_space<semaphore_mem>>)
      %dma_wait3A = arith.constant 0 : i32
      %dma_wait3A_38 = tpu.memref_slice %arg9[%add3A_15, %dma_wait3A] : memref<10240x128xf32, #tpu.memory_space<vmem_shared>> -> memref<128x128xf32, #tpu.memory_space<vmem_shared>>
      %dma_wait3A_39 = arith.constant 0 : i32
      %dma_wait3A_40 = tpu.memref_slice %arg9[%add3A_15, %dma_wait3A_39] : memref<10240x128xf32, #tpu.memory_space<vmem_shared>> -> memref<128x128xf32, #tpu.memory_space<vmem_shared>>
      tpu.wait_dma2 semaphore(%run_scoped3A : memref<!tpu.dma_semaphore, #tpu.memory_space<semaphore_mem>>) src(%arg8 : memref<128x128xf32, #tpu.memory_space<vmem>>) dst(%dma_wait3A_40 : memref<128x128xf32, #tpu.memory_space<vmem_shared>>)
      tpu.yield
    }) : () -> ()
    %add3A_16 = arith.constant 512 : i32
    %add3A_17 = arith.addi %mul3A_7, %add3A_16 : i32
    "tpu.region"() ({
      %run_scoped3A = tpu.sem_alloc : memref<!tpu.dma_semaphore, #tpu.memory_space<semaphore_mem>>
      %dma_start3A = arith.constant 0 : i32
      %dma_start3A_35 = tpu.memref_slice %arg9[%add3A_17, %dma_start3A] : memref<10240x128xf32, #tpu.memory_space<vmem_shared>> -> memref<128x128xf32, #tpu.memory_space<vmem_shared>>
      %dma_start3A_36 = arith.constant 0 : i32
      %dma_start3A_37 = tpu.memref_slice %arg9[%add3A_17, %dma_start3A_36] : memref<10240x128xf32, #tpu.memory_space<vmem_shared>> -> memref<128x128xf32, #tpu.memory_space<vmem_shared>>
      tpu.enqueue_dma source(%arg8 : memref<128x128xf32, #tpu.memory_space<vmem>>) target(%dma_start3A_37 : memref<128x128xf32, #tpu.memory_space<vmem_shared>>) target_semaphore(%run_scoped3A : memref<!tpu.dma_semaphore, #tpu.memory_space<semaphore_mem>>)
      %dma_wait3A = arith.constant 0 : i32
      %dma_wait3A_38 = tpu.memref_slice %arg9[%add3A_17, %dma_wait3A] : memref<10240x128xf32, #tpu.memory_space<vmem_shared>> -> memref<128x128xf32, #tpu.memory_space<vmem_shared>>
      %dma_wait3A_39 = arith.constant 0 : i32
      %dma_wait3A_40 = tpu.memref_slice %arg9[%add3A_17, %dma_wait3A_39] : memref<10240x128xf32, #tpu.memory_space<vmem_shared>> -> memref<128x128xf32, #tpu.memory_space<vmem_shared>>
      tpu.wait_dma2 semaphore(%run_scoped3A : memref<!tpu.dma_semaphore, #tpu.memory_space<semaphore_mem>>) src(%arg8 : memref<128x128xf32, #tpu.memory_space<vmem>>) dst(%dma_wait3A_40 : memref<128x128xf32, #tpu.memory_space<vmem_shared>>)
      tpu.yield
    }) : () -> ()
    %barrier3A = arith.constant 0 : index
    tpu.barrier barrier_id(%barrier3A)
    %scan3A_18 = arith.constant 0 : i32
    %scan3A_19 = arith.constant 0 : i32
    %scan3A_20 = arith.constant 79 : i32
    %scan3A_21 = arith.addi %scan3A_19, %scan3A_20 : i32
    %scan3A_22 = arith.constant 1 : i32
    scf.for %scan3A_35 = %scan3A_19 to %scan3A_21 step %scan3A_22  : i32 {
      "tpu.region"() ({
        %run_scoped3A = tpu.sem_alloc : memref<!tpu.dma_semaphore, #tpu.memory_space<semaphore_mem>>
        %dma_start3A = arith.constant 0 : i32
        %dma_start3A_36 = tpu.memref_slice %arg6[%scan3A_35, %dma_start3A] : memref<79x128xi32, #tpu.memory_space<vmem>> -> memref<1x128xi32, #tpu.memory_space<vmem>>
        %dma_start3A_37 = tpu.memref_squeeze %dma_start3A_36 : memref<1x128xi32, #tpu.memory_space<vmem>> -> memref<128xi32, #tpu.memory_space<vmem>>
        %dma_start3A_38 = arith.constant 0 : i32
        %dma_start3A_39 = arith.constant 0 : i32
        %dma_start3A_40 = tpu.memref_slice %arg2[%dma_start3A_38, %dma_start3A_39] : memref<10240x128xf32, #tpu.memory_space<hbm>> -> memref<10240x128xf32, #tpu.memory_space<hbm>>
        tpu.enqueue_indirect_dma source(%dma_start3A_40 : memref<10240x128xf32, #tpu.memory_space<hbm>>) target(%arg8 : memref<128x128xf32, #tpu.memory_space<vmem>>) offsets(%dma_start3A_37 : memref<128xi32, #tpu.memory_space<vmem>>) semaphore(%run_scoped3A : memref<!tpu.dma_semaphore, #tpu.memory_space<semaphore_mem>>)
        %dma_wait3A = arith.constant 0 : i32
        %dma_wait3A_41 = tpu.memref_slice %arg6[%scan3A_35, %dma_wait3A] : memref<79x128xi32, #tpu.memory_space<vmem>> -> memref<1x128xi32, #tpu.memory_space<vmem>>
        %dma_wait3A_42 = tpu.memref_squeeze %dma_wait3A_41 : memref<1x128xi32, #tpu.memory_space<vmem>> -> memref<128xi32, #tpu.memory_space<vmem>>
        %dma_wait3A_43 = arith.constant 0 : i32
        %dma_wait3A_44 = arith.constant 0 : i32
        %dma_wait3A_45 = tpu.memref_slice %arg2[%dma_wait3A_43, %dma_wait3A_44] : memref<10240x128xf32, #tpu.memory_space<hbm>> -> memref<10240x128xf32, #tpu.memory_space<hbm>>
        tpu.wait_indirect_dma semaphore(%run_scoped3A : memref<!tpu.dma_semaphore, #tpu.memory_space<semaphore_mem>>) src(%dma_wait3A_45 : memref<10240x128xf32, #tpu.memory_space<hbm>>) dst(%arg8 : memref<128x128xf32, #tpu.memory_space<vmem>>)
        tpu.yield
      }) : () -> ()
      "tpu.region"() ({
        %run_scoped3A = tpu.sem_alloc : memref<!tpu.dma_semaphore, #tpu.memory_space<semaphore_mem>>
        %dma_start3A = arith.constant 0 : i32
        %dma_start3A_36 = tpu.memref_slice %arg7[%scan3A_35, %dma_start3A] : memref<79x128xi32, #tpu.memory_space<vmem>> -> memref<1x128xi32, #tpu.memory_space<vmem>>
        %dma_start3A_37 = tpu.memref_squeeze %dma_start3A_36 : memref<1x128xi32, #tpu.memory_space<vmem>> -> memref<128xi32, #tpu.memory_space<vmem>>
        %dma_start3A_38 = arith.constant 0 : i32
        %dma_start3A_39 = arith.constant 0 : i32
        %dma_start3A_40 = tpu.memref_slice %arg9[%dma_start3A_38, %dma_start3A_39] : memref<10240x128xf32, #tpu.memory_space<vmem_shared>> -> memref<10240x128xf32, #tpu.memory_space<vmem_shared>>
        tpu.enqueue_indirect_dma source(%arg8 : memref<128x128xf32, #tpu.memory_space<vmem>>) target(%dma_start3A_40 : memref<10240x128xf32, #tpu.memory_space<vmem_shared>>) offsets(%dma_start3A_37 : memref<128xi32, #tpu.memory_space<vmem>>) semaphore(%run_scoped3A : memref<!tpu.dma_semaphore, #tpu.memory_space<semaphore_mem>>) {add = true}
        %dma_wait3A = arith.constant 0 : i32
        %dma_wait3A_41 = tpu.memref_slice %arg7[%scan3A_35, %dma_wait3A] : memref<79x128xi32, #tpu.memory_space<vmem>> -> memref<1x128xi32, #tpu.memory_space<vmem>>
        %dma_wait3A_42 = tpu.memref_squeeze %dma_wait3A_41 : memref<1x128xi32, #tpu.memory_space<vmem>> -> memref<128xi32, #tpu.memory_space<vmem>>
        %dma_wait3A_43 = arith.constant 0 : i32
        %dma_wait3A_44 = arith.constant 0 : i32
        %dma_wait3A_45 = tpu.memref_slice %arg9[%dma_wait3A_43, %dma_wait3A_44] : memref<10240x128xf32, #tpu.memory_space<vmem_shared>> -> memref<10240x128xf32, #tpu.memory_space<vmem_shared>>
        tpu.wait_indirect_dma semaphore(%run_scoped3A : memref<!tpu.dma_semaphore, #tpu.memory_space<semaphore_mem>>) src(%arg8 : memref<128x128xf32, #tpu.memory_space<vmem>>) dst(%dma_wait3A_45 : memref<10240x128xf32, #tpu.memory_space<vmem_shared>>)
        tpu.yield
      }) : () -> ()
    }
    %scan3A_23 = arith.constant 79 : i32
    %barrier3A_24 = arith.constant 0 : index
    tpu.barrier barrier_id(%barrier3A_24)
    %add3A_25 = arith.constant 0 : i32
    %add3A_26 = arith.addi %mul3A_7, %add3A_25 : i32
    "tpu.region"() ({
      %run_scoped3A = tpu.sem_alloc : memref<!tpu.dma_semaphore, #tpu.memory_space<semaphore_mem>>
      %dma_start3A = arith.constant 0 : i32
      %dma_start3A_35 = tpu.memref_slice %arg5[%arg0, %add3A_26, %dma_start3A] : memref<2x10240x128xf32, #tpu.memory_space<hbm>> -> memref<1x128x128xf32, #tpu.memory_space<hbm>>
      %dma_start3A_36 = tpu.memref_squeeze %dma_start3A_35 : memref<1x128x128xf32, #tpu.memory_space<hbm>> -> memref<128x128xf32, #tpu.memory_space<hbm>>
      %dma_start3A_37 = arith.constant 0 : i32
      %dma_start3A_38 = tpu.memref_slice %arg9[%add3A_26, %dma_start3A_37] : memref<10240x128xf32, #tpu.memory_space<vmem_shared>> -> memref<128x128xf32, #tpu.memory_space<vmem_shared>>
      tpu.enqueue_dma source(%dma_start3A_38 : memref<128x128xf32, #tpu.memory_space<vmem_shared>>) target(%dma_start3A_36 : memref<128x128xf32, #tpu.memory_space<hbm>>) target_semaphore(%run_scoped3A : memref<!tpu.dma_semaphore, #tpu.memory_space<semaphore_mem>>)
      %dma_wait3A = arith.constant 0 : i32
      %dma_wait3A_39 = tpu.memref_slice %arg5[%arg0, %add3A_26, %dma_wait3A] : memref<2x10240x128xf32, #tpu.memory_space<hbm>> -> memref<1x128x128xf32, #tpu.memory_space<hbm>>
      %dma_wait3A_40 = tpu.memref_squeeze %dma_wait3A_39 : memref<1x128x128xf32, #tpu.memory_space<hbm>> -> memref<128x128xf32, #tpu.memory_space<hbm>>
      %dma_wait3A_41 = arith.constant 0 : i32
      %dma_wait3A_42 = tpu.memref_slice %arg9[%add3A_26, %dma_wait3A_41] : memref<10240x128xf32, #tpu.memory_space<vmem_shared>> -> memref<128x128xf32, #tpu.memory_space<vmem_shared>>
      tpu.wait_dma2 semaphore(%run_scoped3A : memref<!tpu.dma_semaphore, #tpu.memory_space<semaphore_mem>>) src(%dma_wait3A_42 : memref<128x128xf32, #tpu.memory_space<vmem_shared>>) dst(%dma_wait3A_40 : memref<128x128xf32, #tpu.memory_space<hbm>>)
      tpu.yield
    }) : () -> ()
    %add3A_27 = arith.constant 128 : i32
    %add3A_28 = arith.addi %mul3A_7, %add3A_27 : i32
    "tpu.region"() ({
      %run_scoped3A = tpu.sem_alloc : memref<!tpu.dma_semaphore, #tpu.memory_space<semaphore_mem>>
      %dma_start3A = arith.constant 0 : i32
      %dma_start3A_35 = tpu.memref_slice %arg5[%arg0, %add3A_28, %dma_start3A] : memref<2x10240x128xf32, #tpu.memory_space<hbm>> -> memref<1x128x128xf32, #tpu.memory_space<hbm>>
      %dma_start3A_36 = tpu.memref_squeeze %dma_start3A_35 : memref<1x128x128xf32, #tpu.memory_space<hbm>> -> memref<128x128xf32, #tpu.memory_space<hbm>>
      %dma_start3A_37 = arith.constant 0 : i32
      %dma_start3A_38 = tpu.memref_slice %arg9[%add3A_28, %dma_start3A_37] : memref<10240x128xf32, #tpu.memory_space<vmem_shared>> -> memref<128x128xf32, #tpu.memory_space<vmem_shared>>
      tpu.enqueue_dma source(%dma_start3A_38 : memref<128x128xf32, #tpu.memory_space<vmem_shared>>) target(%dma_start3A_36 : memref<128x128xf32, #tpu.memory_space<hbm>>) target_semaphore(%run_scoped3A : memref<!tpu.dma_semaphore, #tpu.memory_space<semaphore_mem>>)
      %dma_wait3A = arith.constant 0 : i32
      %dma_wait3A_39 = tpu.memref_slice %arg5[%arg0, %add3A_28, %dma_wait3A] : memref<2x10240x128xf32, #tpu.memory_space<hbm>> -> memref<1x128x128xf32, #tpu.memory_space<hbm>>
      %dma_wait3A_40 = tpu.memref_squeeze %dma_wait3A_39 : memref<1x128x128xf32, #tpu.memory_space<hbm>> -> memref<128x128xf32, #tpu.memory_space<hbm>>
      %dma_wait3A_41 = arith.constant 0 : i32
      %dma_wait3A_42 = tpu.memref_slice %arg9[%add3A_28, %dma_wait3A_41] : memref<10240x128xf32, #tpu.memory_space<vmem_shared>> -> memref<128x128xf32, #tpu.memory_space<vmem_shared>>
      tpu.wait_dma2 semaphore(%run_scoped3A : memref<!tpu.dma_semaphore, #tpu.memory_space<semaphore_mem>>) src(%dma_wait3A_42 : memref<128x128xf32, #tpu.memory_space<vmem_shared>>) dst(%dma_wait3A_40 : memref<128x128xf32, #tpu.memory_space<hbm>>)
      tpu.yield
    }) : () -> ()
    %add3A_29 = arith.constant 256 : i32
    %add3A_30 = arith.addi %mul3A_7, %add3A_29 : i32
    "tpu.region"() ({
      %run_scoped3A = tpu.sem_alloc : memref<!tpu.dma_semaphore, #tpu.memory_space<semaphore_mem>>
      %dma_start3A = arith.constant 0 : i32
      %dma_start3A_35 = tpu.memref_slice %arg5[%arg0, %add3A_30, %dma_start3A] : memref<2x10240x128xf32, #tpu.memory_space<hbm>> -> memref<1x128x128xf32, #tpu.memory_space<hbm>>
      %dma_start3A_36 = tpu.memref_squeeze %dma_start3A_35 : memref<1x128x128xf32, #tpu.memory_space<hbm>> -> memref<128x128xf32, #tpu.memory_space<hbm>>
      %dma_start3A_37 = arith.constant 0 : i32
      %dma_start3A_38 = tpu.memref_slice %arg9[%add3A_30, %dma_start3A_37] : memref<10240x128xf32, #tpu.memory_space<vmem_shared>> -> memref<128x128xf32, #tpu.memory_space<vmem_shared>>
      tpu.enqueue_dma source(%dma_start3A_38 : memref<128x128xf32, #tpu.memory_space<vmem_shared>>) target(%dma_start3A_36 : memref<128x128xf32, #tpu.memory_space<hbm>>) target_semaphore(%run_scoped3A : memref<!tpu.dma_semaphore, #tpu.memory_space<semaphore_mem>>)
      %dma_wait3A = arith.constant 0 : i32
      %dma_wait3A_39 = tpu.memref_slice %arg5[%arg0, %add3A_30, %dma_wait3A] : memref<2x10240x128xf32, #tpu.memory_space<hbm>> -> memref<1x128x128xf32, #tpu.memory_space<hbm>>
      %dma_wait3A_40 = tpu.memref_squeeze %dma_wait3A_39 : memref<1x128x128xf32, #tpu.memory_space<hbm>> -> memref<128x128xf32, #tpu.memory_space<hbm>>
      %dma_wait3A_41 = arith.constant 0 : i32
      %dma_wait3A_42 = tpu.memref_slice %arg9[%add3A_30, %dma_wait3A_41] : memref<10240x128xf32, #tpu.memory_space<vmem_shared>> -> memref<128x128xf32, #tpu.memory_space<vmem_shared>>
      tpu.wait_dma2 semaphore(%run_scoped3A : memref<!tpu.dma_semaphore, #tpu.memory_space<semaphore_mem>>) src(%dma_wait3A_42 : memref<128x128xf32, #tpu.memory_space<vmem_shared>>) dst(%dma_wait3A_40 : memref<128x128xf32, #tpu.memory_space<hbm>>)
      tpu.yield
    }) : () -> ()
    %add3A_31 = arith.constant 384 : i32
    %add3A_32 = arith.addi %mul3A_7, %add3A_31 : i32
    "tpu.region"() ({
      %run_scoped3A = tpu.sem_alloc : memref<!tpu.dma_semaphore, #tpu.memory_space<semaphore_mem>>
      %dma_start3A = arith.constant 0 : i32
      %dma_start3A_35 = tpu.memref_slice %arg5[%arg0, %add3A_32, %dma_start3A] : memref<2x10240x128xf32, #tpu.memory_space<hbm>> -> memref<1x128x128xf32, #tpu.memory_space<hbm>>
      %dma_start3A_36 = tpu.memref_squeeze %dma_start3A_35 : memref<1x128x128xf32, #tpu.memory_space<hbm>> -> memref<128x128xf32, #tpu.memory_space<hbm>>
      %dma_start3A_37 = arith.constant 0 : i32
      %dma_start3A_38 = tpu.memref_slice %arg9[%add3A_32, %dma_start3A_37] : memref<10240x128xf32, #tpu.memory_space<vmem_shared>> -> memref<128x128xf32, #tpu.memory_space<vmem_shared>>
      tpu.enqueue_dma source(%dma_start3A_38 : memref<128x128xf32, #tpu.memory_space<vmem_shared>>) target(%dma_start3A_36 : memref<128x128xf32, #tpu.memory_space<hbm>>) target_semaphore(%run_scoped3A : memref<!tpu.dma_semaphore, #tpu.memory_space<semaphore_mem>>)
      %dma_wait3A = arith.constant 0 : i32
      %dma_wait3A_39 = tpu.memref_slice %arg5[%arg0, %add3A_32, %dma_wait3A] : memref<2x10240x128xf32, #tpu.memory_space<hbm>> -> memref<1x128x128xf32, #tpu.memory_space<hbm>>
      %dma_wait3A_40 = tpu.memref_squeeze %dma_wait3A_39 : memref<1x128x128xf32, #tpu.memory_space<hbm>> -> memref<128x128xf32, #tpu.memory_space<hbm>>
      %dma_wait3A_41 = arith.constant 0 : i32
      %dma_wait3A_42 = tpu.memref_slice %arg9[%add3A_32, %dma_wait3A_41] : memref<10240x128xf32, #tpu.memory_space<vmem_shared>> -> memref<128x128xf32, #tpu.memory_space<vmem_shared>>
      tpu.wait_dma2 semaphore(%run_scoped3A : memref<!tpu.dma_semaphore, #tpu.memory_space<semaphore_mem>>) src(%dma_wait3A_42 : memref<128x128xf32, #tpu.memory_space<vmem_shared>>) dst(%dma_wait3A_40 : memref<128x128xf32, #tpu.memory_space<hbm>>)
      tpu.yield
    }) : () -> ()
    %add3A_33 = arith.constant 512 : i32
    %add3A_34 = arith.addi %mul3A_7, %add3A_33 : i32
    "tpu.region"() ({
      %run_scoped3A = tpu.sem_alloc : memref<!tpu.dma_semaphore, #tpu.memory_space<semaphore_mem>>
      %dma_start3A = arith.constant 0 : i32
      %dma_start3A_35 = tpu.memref_slice %arg5[%arg0, %add3A_34, %dma_start3A] : memref<2x10240x128xf32, #tpu.memory_space<hbm>> -> memref<1x128x128xf32, #tpu.memory_space<hbm>>
      %dma_start3A_36 = tpu.memref_squeeze %dma_start3A_35 : memref<1x128x128xf32, #tpu.memory_space<hbm>> -> memref<128x128xf32, #tpu.memory_space<hbm>>
      %dma_start3A_37 = arith.constant 0 : i32
      %dma_start3A_38 = tpu.memref_slice %arg9[%add3A_34, %dma_start3A_37] : memref<10240x128xf32, #tpu.memory_space<vmem_shared>> -> memref<128x128xf32, #tpu.memory_space<vmem_shared>>
      tpu.enqueue_dma source(%dma_start3A_38 : memref<128x128xf32, #tpu.memory_space<vmem_shared>>) target(%dma_start3A_36 : memref<128x128xf32, #tpu.memory_space<hbm>>) target_semaphore(%run_scoped3A : memref<!tpu.dma_semaphore, #tpu.memory_space<semaphore_mem>>)
      %dma_wait3A = arith.constant 0 : i32
      %dma_wait3A_39 = tpu.memref_slice %arg5[%arg0, %add3A_34, %dma_wait3A] : memref<2x10240x128xf32, #tpu.memory_space<hbm>> -> memref<1x128x128xf32, #tpu.memory_space<hbm>>
      %dma_wait3A_40 = tpu.memref_squeeze %dma_wait3A_39 : memref<1x128x128xf32, #tpu.memory_space<hbm>> -> memref<128x128xf32, #tpu.memory_space<hbm>>
      %dma_wait3A_41 = arith.constant 0 : i32
      %dma_wait3A_42 = tpu.memref_slice %arg9[%add3A_34, %dma_wait3A_41] : memref<10240x128xf32, #tpu.memory_space<vmem_shared>> -> memref<128x128xf32, #tpu.memory_space<vmem_shared>>
      tpu.wait_dma2 semaphore(%run_scoped3A : memref<!tpu.dma_semaphore, #tpu.memory_space<semaphore_mem>>) src(%dma_wait3A_42 : memref<128x128xf32, #tpu.memory_space<vmem_shared>>) dst(%dma_wait3A_40 : memref<128x128xf32, #tpu.memory_space<hbm>>)
      tpu.yield
    }) : () -> ()
    return
  }
}

#map = affine_map<(d0, d1) -> (0, 0, 0)>
module attributes {stable_mosaic.version = 14 : i64} {
  func.func @deg_kernel(%arg0: i32, %arg1: i32, %arg2: memref<32x79x128xi32, #tpu.memory_space<hbm>>, %arg3: memref<2x10240x16xf32, #tpu.memory_space<hbm>>, %arg4: memref<79x128xi32, #tpu.memory_space<vmem>>, %arg5: memref<128x16xf32, #tpu.memory_space<vmem>>, %arg6: memref<128x16xf32, #tpu.memory_space<vmem>>, %arg7: memref<10240x16xf32, #tpu.memory_space<vmem_shared>>) attributes {dimension_semantics = [#tpu.dimension_semantics<core_parallel>, #tpu.dimension_semantics<subcore_parallel>], iteration_bounds = array<i64: 2, 16>, scalar_prefetch = 0 : i64, scratch_operands = 4 : i64, tpu.core_type = #tpu.core_type<sc_vector_subcore>, window_params = [{transform_indices = #map}, {transform_indices = #map}]} {
    %mul3A = arith.constant 16 : i32
    %mul3A_0 = arith.muli %arg0, %mul3A : i32
    %add3A = arith.addi %mul3A_0, %arg1 : i32
    "tpu.region"() ({
      %run_scoped3A = tpu.sem_alloc : memref<!tpu.dma_semaphore, #tpu.memory_space<semaphore_mem>>
      %dma_start3A = arith.constant 0 : i32
      %dma_start3A_35 = arith.constant 0 : i32
      %dma_start3A_36 = tpu.memref_slice %arg2[%add3A, %dma_start3A, %dma_start3A_35] : memref<32x79x128xi32, #tpu.memory_space<hbm>> -> memref<1x79x128xi32, #tpu.memory_space<hbm>>
      %dma_start3A_37 = tpu.memref_squeeze %dma_start3A_36 : memref<1x79x128xi32, #tpu.memory_space<hbm>> -> memref<79x128xi32, #tpu.memory_space<hbm>>
      %dma_start3A_38 = arith.constant 0 : i32
      %dma_start3A_39 = arith.constant 0 : i32
      %dma_start3A_40 = tpu.memref_slice %arg2[%add3A, %dma_start3A_38, %dma_start3A_39] : memref<32x79x128xi32, #tpu.memory_space<hbm>> -> memref<1x79x128xi32, #tpu.memory_space<hbm>>
      %dma_start3A_41 = tpu.memref_squeeze %dma_start3A_40 : memref<1x79x128xi32, #tpu.memory_space<hbm>> -> memref<79x128xi32, #tpu.memory_space<hbm>>
      tpu.enqueue_dma source(%dma_start3A_41 : memref<79x128xi32, #tpu.memory_space<hbm>>) target(%arg4 : memref<79x128xi32, #tpu.memory_space<vmem>>) target_semaphore(%run_scoped3A : memref<!tpu.dma_semaphore, #tpu.memory_space<semaphore_mem>>)
      %dma_wait3A = arith.constant 0 : i32
      %dma_wait3A_42 = arith.constant 0 : i32
      %dma_wait3A_43 = tpu.memref_slice %arg2[%add3A, %dma_wait3A, %dma_wait3A_42] : memref<32x79x128xi32, #tpu.memory_space<hbm>> -> memref<1x79x128xi32, #tpu.memory_space<hbm>>
      %dma_wait3A_44 = tpu.memref_squeeze %dma_wait3A_43 : memref<1x79x128xi32, #tpu.memory_space<hbm>> -> memref<79x128xi32, #tpu.memory_space<hbm>>
      %dma_wait3A_45 = arith.constant 0 : i32
      %dma_wait3A_46 = arith.constant 0 : i32
      %dma_wait3A_47 = tpu.memref_slice %arg2[%add3A, %dma_wait3A_45, %dma_wait3A_46] : memref<32x79x128xi32, #tpu.memory_space<hbm>> -> memref<1x79x128xi32, #tpu.memory_space<hbm>>
      %dma_wait3A_48 = tpu.memref_squeeze %dma_wait3A_47 : memref<1x79x128xi32, #tpu.memory_space<hbm>> -> memref<79x128xi32, #tpu.memory_space<hbm>>
      tpu.wait_dma2 semaphore(%run_scoped3A : memref<!tpu.dma_semaphore, #tpu.memory_space<semaphore_mem>>) src(%dma_wait3A_48 : memref<79x128xi32, #tpu.memory_space<hbm>>) dst(%arg4 : memref<79x128xi32, #tpu.memory_space<vmem>>)
      tpu.yield
    }) : () -> ()
    %scan3A = arith.constant 0 : i32
    %scan3A_1 = arith.constant 0 : i32
    %scan3A_2 = arith.constant 128 : i32
    %scan3A_3 = arith.addi %scan3A_1, %scan3A_2 : i32
    %scan3A_4 = arith.constant 1 : i32
    scf.for %scan3A_35 = %scan3A_1 to %scan3A_3 step %scan3A_4  : i32 {
      %broadcast_in_dim3A = arith.constant 1.000000e+00 : f32
      %broadcast_in_dim3A_36 = vector.broadcast %broadcast_in_dim3A : f32 to vector<16xf32>
      %swap3A = arith.index_cast %scan3A_35 : i32 to index
      %swap3A_37 = arith.constant 0 : index
      %swap3A_38 = tpu.vector_load %arg5[%swap3A, %swap3A_37] {strides = array<i32>} : memref<128x16xf32, #tpu.memory_space<vmem>>, vector<1x16xf32>,
      %swap3A_39 = vector.shape_cast %swap3A_38 : vector<1x16xf32> to vector<16xf32>
      %swap3A_40 = vector.shape_cast %broadcast_in_dim3A_36 : vector<16xf32> to vector<1x16xf32>
      tpu.vector_store %arg5[%swap3A, %swap3A_37], %swap3A_40 {strides = array<i32>} : memref<128x16xf32, #tpu.memory_space<vmem>>, vector<1x16xf32>,
      %broadcast_in_dim3A_41 = arith.constant 0.000000e+00 : f32
      %broadcast_in_dim3A_42 = vector.broadcast %broadcast_in_dim3A_41 : f32 to vector<16xf32>
      %swap3A_43 = arith.index_cast %scan3A_35 : i32 to index
      %swap3A_44 = arith.constant 0 : index
      %swap3A_45 = tpu.vector_load %arg6[%swap3A_43, %swap3A_44] {strides = array<i32>} : memref<128x16xf32, #tpu.memory_space<vmem>>, vector<1x16xf32>,
      %swap3A_46 = vector.shape_cast %swap3A_45 : vector<1x16xf32> to vector<16xf32>
      %swap3A_47 = vector.shape_cast %broadcast_in_dim3A_42 : vector<16xf32> to vector<1x16xf32>
      tpu.vector_store %arg6[%swap3A_43, %swap3A_44], %swap3A_47 {strides = array<i32>} : memref<128x16xf32, #tpu.memory_space<vmem>>, vector<1x16xf32>,
    }
    %scan3A_5 = arith.constant 128 : i32
    %mul3A_6 = arith.constant 640 : i32
    %mul3A_7 = arith.muli %arg1, %mul3A_6 : i32
    %add3A_8 = arith.constant 0 : i32
    %add3A_9 = arith.addi %mul3A_7, %add3A_8 : i32
    "tpu.region"() ({
      %run_scoped3A = tpu.sem_alloc : memref<!tpu.dma_semaphore, #tpu.memory_space<semaphore_mem>>
      %dma_start3A = arith.constant 0 : i32
      %dma_start3A_35 = tpu.memref_slice %arg7[%add3A_9, %dma_start3A] : memref<10240x16xf32, #tpu.memory_space<vmem_shared>> -> memref<128x16xf32, #tpu.memory_space<vmem_shared>>
      %dma_start3A_36 = arith.constant 0 : i32
      %dma_start3A_37 = tpu.memref_slice %arg7[%add3A_9, %dma_start3A_36] : memref<10240x16xf32, #tpu.memory_space<vmem_shared>> -> memref<128x16xf32, #tpu.memory_space<vmem_shared>>
      tpu.enqueue_dma source(%arg6 : memref<128x16xf32, #tpu.memory_space<vmem>>) target(%dma_start3A_37 : memref<128x16xf32, #tpu.memory_space<vmem_shared>>) target_semaphore(%run_scoped3A : memref<!tpu.dma_semaphore, #tpu.memory_space<semaphore_mem>>)
      %dma_wait3A = arith.constant 0 : i32
      %dma_wait3A_38 = tpu.memref_slice %arg7[%add3A_9, %dma_wait3A] : memref<10240x16xf32, #tpu.memory_space<vmem_shared>> -> memref<128x16xf32, #tpu.memory_space<vmem_shared>>
      %dma_wait3A_39 = arith.constant 0 : i32
      %dma_wait3A_40 = tpu.memref_slice %arg7[%add3A_9, %dma_wait3A_39] : memref<10240x16xf32, #tpu.memory_space<vmem_shared>> -> memref<128x16xf32, #tpu.memory_space<vmem_shared>>
      tpu.wait_dma2 semaphore(%run_scoped3A : memref<!tpu.dma_semaphore, #tpu.memory_space<semaphore_mem>>) src(%arg6 : memref<128x16xf32, #tpu.memory_space<vmem>>) dst(%dma_wait3A_40 : memref<128x16xf32, #tpu.memory_space<vmem_shared>>)
      tpu.yield
    }) : () -> ()
    %add3A_10 = arith.constant 128 : i32
    %add3A_11 = arith.addi %mul3A_7, %add3A_10 : i32
    "tpu.region"() ({
      %run_scoped3A = tpu.sem_alloc : memref<!tpu.dma_semaphore, #tpu.memory_space<semaphore_mem>>
      %dma_start3A = arith.constant 0 : i32
      %dma_start3A_35 = tpu.memref_slice %arg7[%add3A_11, %dma_start3A] : memref<10240x16xf32, #tpu.memory_space<vmem_shared>> -> memref<128x16xf32, #tpu.memory_space<vmem_shared>>
      %dma_start3A_36 = arith.constant 0 : i32
      %dma_start3A_37 = tpu.memref_slice %arg7[%add3A_11, %dma_start3A_36] : memref<10240x16xf32, #tpu.memory_space<vmem_shared>> -> memref<128x16xf32, #tpu.memory_space<vmem_shared>>
      tpu.enqueue_dma source(%arg6 : memref<128x16xf32, #tpu.memory_space<vmem>>) target(%dma_start3A_37 : memref<128x16xf32, #tpu.memory_space<vmem_shared>>) target_semaphore(%run_scoped3A : memref<!tpu.dma_semaphore, #tpu.memory_space<semaphore_mem>>)
      %dma_wait3A = arith.constant 0 : i32
      %dma_wait3A_38 = tpu.memref_slice %arg7[%add3A_11, %dma_wait3A] : memref<10240x16xf32, #tpu.memory_space<vmem_shared>> -> memref<128x16xf32, #tpu.memory_space<vmem_shared>>
      %dma_wait3A_39 = arith.constant 0 : i32
      %dma_wait3A_40 = tpu.memref_slice %arg7[%add3A_11, %dma_wait3A_39] : memref<10240x16xf32, #tpu.memory_space<vmem_shared>> -> memref<128x16xf32, #tpu.memory_space<vmem_shared>>
      tpu.wait_dma2 semaphore(%run_scoped3A : memref<!tpu.dma_semaphore, #tpu.memory_space<semaphore_mem>>) src(%arg6 : memref<128x16xf32, #tpu.memory_space<vmem>>) dst(%dma_wait3A_40 : memref<128x16xf32, #tpu.memory_space<vmem_shared>>)
      tpu.yield
    }) : () -> ()
    %add3A_12 = arith.constant 256 : i32
    %add3A_13 = arith.addi %mul3A_7, %add3A_12 : i32
    "tpu.region"() ({
      %run_scoped3A = tpu.sem_alloc : memref<!tpu.dma_semaphore, #tpu.memory_space<semaphore_mem>>
      %dma_start3A = arith.constant 0 : i32
      %dma_start3A_35 = tpu.memref_slice %arg7[%add3A_13, %dma_start3A] : memref<10240x16xf32, #tpu.memory_space<vmem_shared>> -> memref<128x16xf32, #tpu.memory_space<vmem_shared>>
      %dma_start3A_36 = arith.constant 0 : i32
      %dma_start3A_37 = tpu.memref_slice %arg7[%add3A_13, %dma_start3A_36] : memref<10240x16xf32, #tpu.memory_space<vmem_shared>> -> memref<128x16xf32, #tpu.memory_space<vmem_shared>>
      tpu.enqueue_dma source(%arg6 : memref<128x16xf32, #tpu.memory_space<vmem>>) target(%dma_start3A_37 : memref<128x16xf32, #tpu.memory_space<vmem_shared>>) target_semaphore(%run_scoped3A : memref<!tpu.dma_semaphore, #tpu.memory_space<semaphore_mem>>)
      %dma_wait3A = arith.constant 0 : i32
      %dma_wait3A_38 = tpu.memref_slice %arg7[%add3A_13, %dma_wait3A] : memref<10240x16xf32, #tpu.memory_space<vmem_shared>> -> memref<128x16xf32, #tpu.memory_space<vmem_shared>>
      %dma_wait3A_39 = arith.constant 0 : i32
      %dma_wait3A_40 = tpu.memref_slice %arg7[%add3A_13, %dma_wait3A_39] : memref<10240x16xf32, #tpu.memory_space<vmem_shared>> -> memref<128x16xf32, #tpu.memory_space<vmem_shared>>
      tpu.wait_dma2 semaphore(%run_scoped3A : memref<!tpu.dma_semaphore, #tpu.memory_space<semaphore_mem>>) src(%arg6 : memref<128x16xf32, #tpu.memory_space<vmem>>) dst(%dma_wait3A_40 : memref<128x16xf32, #tpu.memory_space<vmem_shared>>)
      tpu.yield
    }) : () -> ()
    %add3A_14 = arith.constant 384 : i32
    %add3A_15 = arith.addi %mul3A_7, %add3A_14 : i32
    "tpu.region"() ({
      %run_scoped3A = tpu.sem_alloc : memref<!tpu.dma_semaphore, #tpu.memory_space<semaphore_mem>>
      %dma_start3A = arith.constant 0 : i32
      %dma_start3A_35 = tpu.memref_slice %arg7[%add3A_15, %dma_start3A] : memref<10240x16xf32, #tpu.memory_space<vmem_shared>> -> memref<128x16xf32, #tpu.memory_space<vmem_shared>>
      %dma_start3A_36 = arith.constant 0 : i32
      %dma_start3A_37 = tpu.memref_slice %arg7[%add3A_15, %dma_start3A_36] : memref<10240x16xf32, #tpu.memory_space<vmem_shared>> -> memref<128x16xf32, #tpu.memory_space<vmem_shared>>
      tpu.enqueue_dma source(%arg6 : memref<128x16xf32, #tpu.memory_space<vmem>>) target(%dma_start3A_37 : memref<128x16xf32, #tpu.memory_space<vmem_shared>>) target_semaphore(%run_scoped3A : memref<!tpu.dma_semaphore, #tpu.memory_space<semaphore_mem>>)
      %dma_wait3A = arith.constant 0 : i32
      %dma_wait3A_38 = tpu.memref_slice %arg7[%add3A_15, %dma_wait3A] : memref<10240x16xf32, #tpu.memory_space<vmem_shared>> -> memref<128x16xf32, #tpu.memory_space<vmem_shared>>
      %dma_wait3A_39 = arith.constant 0 : i32
      %dma_wait3A_40 = tpu.memref_slice %arg7[%add3A_15, %dma_wait3A_39] : memref<10240x16xf32, #tpu.memory_space<vmem_shared>> -> memref<128x16xf32, #tpu.memory_space<vmem_shared>>
      tpu.wait_dma2 semaphore(%run_scoped3A : memref<!tpu.dma_semaphore, #tpu.memory_space<semaphore_mem>>) src(%arg6 : memref<128x16xf32, #tpu.memory_space<vmem>>) dst(%dma_wait3A_40 : memref<128x16xf32, #tpu.memory_space<vmem_shared>>)
      tpu.yield
    }) : () -> ()
    %add3A_16 = arith.constant 512 : i32
    %add3A_17 = arith.addi %mul3A_7, %add3A_16 : i32
    "tpu.region"() ({
      %run_scoped3A = tpu.sem_alloc : memref<!tpu.dma_semaphore, #tpu.memory_space<semaphore_mem>>
      %dma_start3A = arith.constant 0 : i32
      %dma_start3A_35 = tpu.memref_slice %arg7[%add3A_17, %dma_start3A] : memref<10240x16xf32, #tpu.memory_space<vmem_shared>> -> memref<128x16xf32, #tpu.memory_space<vmem_shared>>
      %dma_start3A_36 = arith.constant 0 : i32
      %dma_start3A_37 = tpu.memref_slice %arg7[%add3A_17, %dma_start3A_36] : memref<10240x16xf32, #tpu.memory_space<vmem_shared>> -> memref<128x16xf32, #tpu.memory_space<vmem_shared>>
      tpu.enqueue_dma source(%arg6 : memref<128x16xf32, #tpu.memory_space<vmem>>) target(%dma_start3A_37 : memref<128x16xf32, #tpu.memory_space<vmem_shared>>) target_semaphore(%run_scoped3A : memref<!tpu.dma_semaphore, #tpu.memory_space<semaphore_mem>>)
      %dma_wait3A = arith.constant 0 : i32
      %dma_wait3A_38 = tpu.memref_slice %arg7[%add3A_17, %dma_wait3A] : memref<10240x16xf32, #tpu.memory_space<vmem_shared>> -> memref<128x16xf32, #tpu.memory_space<vmem_shared>>
      %dma_wait3A_39 = arith.constant 0 : i32
      %dma_wait3A_40 = tpu.memref_slice %arg7[%add3A_17, %dma_wait3A_39] : memref<10240x16xf32, #tpu.memory_space<vmem_shared>> -> memref<128x16xf32, #tpu.memory_space<vmem_shared>>
      tpu.wait_dma2 semaphore(%run_scoped3A : memref<!tpu.dma_semaphore, #tpu.memory_space<semaphore_mem>>) src(%arg6 : memref<128x16xf32, #tpu.memory_space<vmem>>) dst(%dma_wait3A_40 : memref<128x16xf32, #tpu.memory_space<vmem_shared>>)
      tpu.yield
    }) : () -> ()
    %barrier3A = arith.constant 0 : index
    tpu.barrier barrier_id(%barrier3A)
    %scan3A_18 = arith.constant 0 : i32
    %scan3A_19 = arith.constant 0 : i32
    %scan3A_20 = arith.constant 79 : i32
    %scan3A_21 = arith.addi %scan3A_19, %scan3A_20 : i32
    %scan3A_22 = arith.constant 1 : i32
    scf.for %scan3A_35 = %scan3A_19 to %scan3A_21 step %scan3A_22  : i32 {
      "tpu.region"() ({
        %run_scoped3A = tpu.sem_alloc : memref<!tpu.dma_semaphore, #tpu.memory_space<semaphore_mem>>
        %dma_start3A = arith.constant 0 : i32
        %dma_start3A_36 = tpu.memref_slice %arg4[%scan3A_35, %dma_start3A] : memref<79x128xi32, #tpu.memory_space<vmem>> -> memref<1x128xi32, #tpu.memory_space<vmem>>
        %dma_start3A_37 = tpu.memref_squeeze %dma_start3A_36 : memref<1x128xi32, #tpu.memory_space<vmem>> -> memref<128xi32, #tpu.memory_space<vmem>>
        %dma_start3A_38 = arith.constant 0 : i32
        %dma_start3A_39 = arith.constant 0 : i32
        %dma_start3A_40 = tpu.memref_slice %arg7[%dma_start3A_38, %dma_start3A_39] : memref<10240x16xf32, #tpu.memory_space<vmem_shared>> -> memref<10240x16xf32, #tpu.memory_space<vmem_shared>>
        tpu.enqueue_indirect_dma source(%arg5 : memref<128x16xf32, #tpu.memory_space<vmem>>) target(%dma_start3A_40 : memref<10240x16xf32, #tpu.memory_space<vmem_shared>>) offsets(%dma_start3A_37 : memref<128xi32, #tpu.memory_space<vmem>>) semaphore(%run_scoped3A : memref<!tpu.dma_semaphore, #tpu.memory_space<semaphore_mem>>) {add = true}
        %dma_wait3A = arith.constant 0 : i32
        %dma_wait3A_41 = tpu.memref_slice %arg4[%scan3A_35, %dma_wait3A] : memref<79x128xi32, #tpu.memory_space<vmem>> -> memref<1x128xi32, #tpu.memory_space<vmem>>
        %dma_wait3A_42 = tpu.memref_squeeze %dma_wait3A_41 : memref<1x128xi32, #tpu.memory_space<vmem>> -> memref<128xi32, #tpu.memory_space<vmem>>
        %dma_wait3A_43 = arith.constant 0 : i32
        %dma_wait3A_44 = arith.constant 0 : i32
        %dma_wait3A_45 = tpu.memref_slice %arg7[%dma_wait3A_43, %dma_wait3A_44] : memref<10240x16xf32, #tpu.memory_space<vmem_shared>> -> memref<10240x16xf32, #tpu.memory_space<vmem_shared>>
        tpu.wait_indirect_dma semaphore(%run_scoped3A : memref<!tpu.dma_semaphore, #tpu.memory_space<semaphore_mem>>) src(%arg5 : memref<128x16xf32, #tpu.memory_space<vmem>>) dst(%dma_wait3A_45 : memref<10240x16xf32, #tpu.memory_space<vmem_shared>>)
        tpu.yield
      }) : () -> ()
    }
    %scan3A_23 = arith.constant 79 : i32
    %barrier3A_24 = arith.constant 0 : index
    tpu.barrier barrier_id(%barrier3A_24)
    %add3A_25 = arith.constant 0 : i32
    %add3A_26 = arith.addi %mul3A_7, %add3A_25 : i32
    "tpu.region"() ({
      %run_scoped3A = tpu.sem_alloc : memref<!tpu.dma_semaphore, #tpu.memory_space<semaphore_mem>>
      %dma_start3A = arith.constant 0 : i32
      %dma_start3A_35 = tpu.memref_slice %arg3[%arg0, %add3A_26, %dma_start3A] : memref<2x10240x16xf32, #tpu.memory_space<hbm>> -> memref<1x128x16xf32, #tpu.memory_space<hbm>>
      %dma_start3A_36 = tpu.memref_squeeze %dma_start3A_35 : memref<1x128x16xf32, #tpu.memory_space<hbm>> -> memref<128x16xf32, #tpu.memory_space<hbm>>
      %dma_start3A_37 = arith.constant 0 : i32
      %dma_start3A_38 = tpu.memref_slice %arg7[%add3A_26, %dma_start3A_37] : memref<10240x16xf32, #tpu.memory_space<vmem_shared>> -> memref<128x16xf32, #tpu.memory_space<vmem_shared>>
      tpu.enqueue_dma source(%dma_start3A_38 : memref<128x16xf32, #tpu.memory_space<vmem_shared>>) target(%dma_start3A_36 : memref<128x16xf32, #tpu.memory_space<hbm>>) target_semaphore(%run_scoped3A : memref<!tpu.dma_semaphore, #tpu.memory_space<semaphore_mem>>)
      %dma_wait3A = arith.constant 0 : i32
      %dma_wait3A_39 = tpu.memref_slice %arg3[%arg0, %add3A_26, %dma_wait3A] : memref<2x10240x16xf32, #tpu.memory_space<hbm>> -> memref<1x128x16xf32, #tpu.memory_space<hbm>>
      %dma_wait3A_40 = tpu.memref_squeeze %dma_wait3A_39 : memref<1x128x16xf32, #tpu.memory_space<hbm>> -> memref<128x16xf32, #tpu.memory_space<hbm>>
      %dma_wait3A_41 = arith.constant 0 : i32
      %dma_wait3A_42 = tpu.memref_slice %arg7[%add3A_26, %dma_wait3A_41] : memref<10240x16xf32, #tpu.memory_space<vmem_shared>> -> memref<128x16xf32, #tpu.memory_space<vmem_shared>>
      tpu.wait_dma2 semaphore(%run_scoped3A : memref<!tpu.dma_semaphore, #tpu.memory_space<semaphore_mem>>) src(%dma_wait3A_42 : memref<128x16xf32, #tpu.memory_space<vmem_shared>>) dst(%dma_wait3A_40 : memref<128x16xf32, #tpu.memory_space<hbm>>)
      tpu.yield
    }) : () -> ()
    %add3A_27 = arith.constant 128 : i32
    %add3A_28 = arith.addi %mul3A_7, %add3A_27 : i32
    "tpu.region"() ({
      %run_scoped3A = tpu.sem_alloc : memref<!tpu.dma_semaphore, #tpu.memory_space<semaphore_mem>>
      %dma_start3A = arith.constant 0 : i32
      %dma_start3A_35 = tpu.memref_slice %arg3[%arg0, %add3A_28, %dma_start3A] : memref<2x10240x16xf32, #tpu.memory_space<hbm>> -> memref<1x128x16xf32, #tpu.memory_space<hbm>>
      %dma_start3A_36 = tpu.memref_squeeze %dma_start3A_35 : memref<1x128x16xf32, #tpu.memory_space<hbm>> -> memref<128x16xf32, #tpu.memory_space<hbm>>
      %dma_start3A_37 = arith.constant 0 : i32
      %dma_start3A_38 = tpu.memref_slice %arg7[%add3A_28, %dma_start3A_37] : memref<10240x16xf32, #tpu.memory_space<vmem_shared>> -> memref<128x16xf32, #tpu.memory_space<vmem_shared>>
      tpu.enqueue_dma source(%dma_start3A_38 : memref<128x16xf32, #tpu.memory_space<vmem_shared>>) target(%dma_start3A_36 : memref<128x16xf32, #tpu.memory_space<hbm>>) target_semaphore(%run_scoped3A : memref<!tpu.dma_semaphore, #tpu.memory_space<semaphore_mem>>)
      %dma_wait3A = arith.constant 0 : i32
      %dma_wait3A_39 = tpu.memref_slice %arg3[%arg0, %add3A_28, %dma_wait3A] : memref<2x10240x16xf32, #tpu.memory_space<hbm>> -> memref<1x128x16xf32, #tpu.memory_space<hbm>>
      %dma_wait3A_40 = tpu.memref_squeeze %dma_wait3A_39 : memref<1x128x16xf32, #tpu.memory_space<hbm>> -> memref<128x16xf32, #tpu.memory_space<hbm>>
      %dma_wait3A_41 = arith.constant 0 : i32
      %dma_wait3A_42 = tpu.memref_slice %arg7[%add3A_28, %dma_wait3A_41] : memref<10240x16xf32, #tpu.memory_space<vmem_shared>> -> memref<128x16xf32, #tpu.memory_space<vmem_shared>>
      tpu.wait_dma2 semaphore(%run_scoped3A : memref<!tpu.dma_semaphore, #tpu.memory_space<semaphore_mem>>) src(%dma_wait3A_42 : memref<128x16xf32, #tpu.memory_space<vmem_shared>>) dst(%dma_wait3A_40 : memref<128x16xf32, #tpu.memory_space<hbm>>)
      tpu.yield
    }) : () -> ()
    %add3A_29 = arith.constant 256 : i32
    %add3A_30 = arith.addi %mul3A_7, %add3A_29 : i32
    "tpu.region"() ({
      %run_scoped3A = tpu.sem_alloc : memref<!tpu.dma_semaphore, #tpu.memory_space<semaphore_mem>>
      %dma_start3A = arith.constant 0 : i32
      %dma_start3A_35 = tpu.memref_slice %arg3[%arg0, %add3A_30, %dma_start3A] : memref<2x10240x16xf32, #tpu.memory_space<hbm>> -> memref<1x128x16xf32, #tpu.memory_space<hbm>>
      %dma_start3A_36 = tpu.memref_squeeze %dma_start3A_35 : memref<1x128x16xf32, #tpu.memory_space<hbm>> -> memref<128x16xf32, #tpu.memory_space<hbm>>
      %dma_start3A_37 = arith.constant 0 : i32
      %dma_start3A_38 = tpu.memref_slice %arg7[%add3A_30, %dma_start3A_37] : memref<10240x16xf32, #tpu.memory_space<vmem_shared>> -> memref<128x16xf32, #tpu.memory_space<vmem_shared>>
      tpu.enqueue_dma source(%dma_start3A_38 : memref<128x16xf32, #tpu.memory_space<vmem_shared>>) target(%dma_start3A_36 : memref<128x16xf32, #tpu.memory_space<hbm>>) target_semaphore(%run_scoped3A : memref<!tpu.dma_semaphore, #tpu.memory_space<semaphore_mem>>)
      %dma_wait3A = arith.constant 0 : i32
      %dma_wait3A_39 = tpu.memref_slice %arg3[%arg0, %add3A_30, %dma_wait3A] : memref<2x10240x16xf32, #tpu.memory_space<hbm>> -> memref<1x128x16xf32, #tpu.memory_space<hbm>>
      %dma_wait3A_40 = tpu.memref_squeeze %dma_wait3A_39 : memref<1x128x16xf32, #tpu.memory_space<hbm>> -> memref<128x16xf32, #tpu.memory_space<hbm>>
      %dma_wait3A_41 = arith.constant 0 : i32
      %dma_wait3A_42 = tpu.memref_slice %arg7[%add3A_30, %dma_wait3A_41] : memref<10240x16xf32, #tpu.memory_space<vmem_shared>> -> memref<128x16xf32, #tpu.memory_space<vmem_shared>>
      tpu.wait_dma2 semaphore(%run_scoped3A : memref<!tpu.dma_semaphore, #tpu.memory_space<semaphore_mem>>) src(%dma_wait3A_42 : memref<128x16xf32, #tpu.memory_space<vmem_shared>>) dst(%dma_wait3A_40 : memref<128x16xf32, #tpu.memory_space<hbm>>)
      tpu.yield
    }) : () -> ()
    %add3A_31 = arith.constant 384 : i32
    %add3A_32 = arith.addi %mul3A_7, %add3A_31 : i32
    "tpu.region"() ({
      %run_scoped3A = tpu.sem_alloc : memref<!tpu.dma_semaphore, #tpu.memory_space<semaphore_mem>>
      %dma_start3A = arith.constant 0 : i32
      %dma_start3A_35 = tpu.memref_slice %arg3[%arg0, %add3A_32, %dma_start3A] : memref<2x10240x16xf32, #tpu.memory_space<hbm>> -> memref<1x128x16xf32, #tpu.memory_space<hbm>>
      %dma_start3A_36 = tpu.memref_squeeze %dma_start3A_35 : memref<1x128x16xf32, #tpu.memory_space<hbm>> -> memref<128x16xf32, #tpu.memory_space<hbm>>
      %dma_start3A_37 = arith.constant 0 : i32
      %dma_start3A_38 = tpu.memref_slice %arg7[%add3A_32, %dma_start3A_37] : memref<10240x16xf32, #tpu.memory_space<vmem_shared>> -> memref<128x16xf32, #tpu.memory_space<vmem_shared>>
      tpu.enqueue_dma source(%dma_start3A_38 : memref<128x16xf32, #tpu.memory_space<vmem_shared>>) target(%dma_start3A_36 : memref<128x16xf32, #tpu.memory_space<hbm>>) target_semaphore(%run_scoped3A : memref<!tpu.dma_semaphore, #tpu.memory_space<semaphore_mem>>)
      %dma_wait3A = arith.constant 0 : i32
      %dma_wait3A_39 = tpu.memref_slice %arg3[%arg0, %add3A_32, %dma_wait3A] : memref<2x10240x16xf32, #tpu.memory_space<hbm>> -> memref<1x128x16xf32, #tpu.memory_space<hbm>>
      %dma_wait3A_40 = tpu.memref_squeeze %dma_wait3A_39 : memref<1x128x16xf32, #tpu.memory_space<hbm>> -> memref<128x16xf32, #tpu.memory_space<hbm>>
      %dma_wait3A_41 = arith.constant 0 : i32
      %dma_wait3A_42 = tpu.memref_slice %arg7[%add3A_32, %dma_wait3A_41] : memref<10240x16xf32, #tpu.memory_space<vmem_shared>> -> memref<128x16xf32, #tpu.memory_space<vmem_shared>>
      tpu.wait_dma2 semaphore(%run_scoped3A : memref<!tpu.dma_semaphore, #tpu.memory_space<semaphore_mem>>) src(%dma_wait3A_42 : memref<128x16xf32, #tpu.memory_space<vmem_shared>>) dst(%dma_wait3A_40 : memref<128x16xf32, #tpu.memory_space<hbm>>)
      tpu.yield
    }) : () -> ()
    %add3A_33 = arith.constant 512 : i32
    %add3A_34 = arith.addi %mul3A_7, %add3A_33 : i32
    "tpu.region"() ({
      %run_scoped3A = tpu.sem_alloc : memref<!tpu.dma_semaphore, #tpu.memory_space<semaphore_mem>>
      %dma_start3A = arith.constant 0 : i32
      %dma_start3A_35 = tpu.memref_slice %arg3[%arg0, %add3A_34, %dma_start3A] : memref<2x10240x16xf32, #tpu.memory_space<hbm>> -> memref<1x128x16xf32, #tpu.memory_space<hbm>>
      %dma_start3A_36 = tpu.memref_squeeze %dma_start3A_35 : memref<1x128x16xf32, #tpu.memory_space<hbm>> -> memref<128x16xf32, #tpu.memory_space<hbm>>
      %dma_start3A_37 = arith.constant 0 : i32
      %dma_start3A_38 = tpu.memref_slice %arg7[%add3A_34, %dma_start3A_37] : memref<10240x16xf32, #tpu.memory_space<vmem_shared>> -> memref<128x16xf32, #tpu.memory_space<vmem_shared>>
      tpu.enqueue_dma source(%dma_start3A_38 : memref<128x16xf32, #tpu.memory_space<vmem_shared>>) target(%dma_start3A_36 : memref<128x16xf32, #tpu.memory_space<hbm>>) target_semaphore(%run_scoped3A : memref<!tpu.dma_semaphore, #tpu.memory_space<semaphore_mem>>)
      %dma_wait3A = arith.constant 0 : i32
      %dma_wait3A_39 = tpu.memref_slice %arg3[%arg0, %add3A_34, %dma_wait3A] : memref<2x10240x16xf32, #tpu.memory_space<hbm>> -> memref<1x128x16xf32, #tpu.memory_space<hbm>>
      %dma_wait3A_40 = tpu.memref_squeeze %dma_wait3A_39 : memref<1x128x16xf32, #tpu.memory_space<hbm>> -> memref<128x16xf32, #tpu.memory_space<hbm>>
      %dma_wait3A_41 = arith.constant 0 : i32
      %dma_wait3A_42 = tpu.memref_slice %arg7[%add3A_34, %dma_wait3A_41] : memref<10240x16xf32, #tpu.memory_space<vmem_shared>> -> memref<128x16xf32, #tpu.memory_space<vmem_shared>>
      tpu.wait_dma2 semaphore(%run_scoped3A : memref<!tpu.dma_semaphore, #tpu.memory_space<semaphore_mem>>) src(%dma_wait3A_42 : memref<128x16xf32, #tpu.memory_space<vmem_shared>>) dst(%dma_wait3A_40 : memref<128x16xf32, #tpu.memory_space<hbm>>)
      tpu.yield
    }) : () -> ()
    return
  }
}

#map = affine_map<(d0, d1) -> (0, 0)>
#map1 = affine_map<(d0, d1) -> (0, 0, 0)>
module attributes {stable_mosaic.version = 14 : i64} {
  func.func @edge_kernel(%arg0: i32, %arg1: i32, %arg2: memref<10240x128xf32, #tpu.memory_space<hbm>>, %arg3: memref<32x79x128xi32, #tpu.memory_space<hbm>>, %arg4: memref<32x79x128xi32, #tpu.memory_space<hbm>>, %arg5: memref<2x10240x128xf32, #tpu.memory_space<hbm>>, %arg6: memref<79x128xi32, #tpu.memory_space<vmem>>, %arg7: memref<79x128xi32, #tpu.memory_space<vmem>>, %arg8: memref<128x128xf32, #tpu.memory_space<vmem>>, %arg9: memref<10240x128xf32, #tpu.memory_space<vmem_shared>>) attributes {dimension_semantics = [#tpu.dimension_semantics<core_parallel>, #tpu.dimension_semantics<subcore_parallel>], iteration_bounds = array<i64: 2, 16>, scalar_prefetch = 0 : i64, scratch_operands = 4 : i64, tpu.core_type = #tpu.core_type<sc_vector_subcore>, window_params = [{transform_indices = #map}, {transform_indices = #map1}, {transform_indices = #map1}, {transform_indices = #map1}]} {
    %mul3A = arith.constant 16 : i32
    %mul3A_0 = arith.muli %arg0, %mul3A : i32
    %add3A = arith.addi %mul3A_0, %arg1 : i32
    "tpu.region"() ({
      %run_scoped3A = tpu.sem_alloc : memref<!tpu.dma_semaphore, #tpu.memory_space<semaphore_mem>>
      %dma_start3A = arith.constant 0 : i32
      %dma_start3A_35 = arith.constant 0 : i32
      %dma_start3A_36 = tpu.memref_slice %arg3[%add3A, %dma_start3A, %dma_start3A_35] : memref<32x79x128xi32, #tpu.memory_space<hbm>> -> memref<1x79x128xi32, #tpu.memory_space<hbm>>
      %dma_start3A_37 = tpu.memref_squeeze %dma_start3A_36 : memref<1x79x128xi32, #tpu.memory_space<hbm>> -> memref<79x128xi32, #tpu.memory_space<hbm>>
      %dma_start3A_38 = arith.constant 0 : i32
      %dma_start3A_39 = arith.constant 0 : i32
      %dma_start3A_40 = tpu.memref_slice %arg3[%add3A, %dma_start3A_38, %dma_start3A_39] : memref<32x79x128xi32, #tpu.memory_space<hbm>> -> memref<1x79x128xi32, #tpu.memory_space<hbm>>
      %dma_start3A_41 = tpu.memref_squeeze %dma_start3A_40 : memref<1x79x128xi32, #tpu.memory_space<hbm>> -> memref<79x128xi32, #tpu.memory_space<hbm>>
      tpu.enqueue_dma source(%dma_start3A_41 : memref<79x128xi32, #tpu.memory_space<hbm>>) target(%arg6 : memref<79x128xi32, #tpu.memory_space<vmem>>) target_semaphore(%run_scoped3A : memref<!tpu.dma_semaphore, #tpu.memory_space<semaphore_mem>>)
      %dma_wait3A = arith.constant 0 : i32
      %dma_wait3A_42 = arith.constant 0 : i32
      %dma_wait3A_43 = tpu.memref_slice %arg3[%add3A, %dma_wait3A, %dma_wait3A_42] : memref<32x79x128xi32, #tpu.memory_space<hbm>> -> memref<1x79x128xi32, #tpu.memory_space<hbm>>
      %dma_wait3A_44 = tpu.memref_squeeze %dma_wait3A_43 : memref<1x79x128xi32, #tpu.memory_space<hbm>> -> memref<79x128xi32, #tpu.memory_space<hbm>>
      %dma_wait3A_45 = arith.constant 0 : i32
      %dma_wait3A_46 = arith.constant 0 : i32
      %dma_wait3A_47 = tpu.memref_slice %arg3[%add3A, %dma_wait3A_45, %dma_wait3A_46] : memref<32x79x128xi32, #tpu.memory_space<hbm>> -> memref<1x79x128xi32, #tpu.memory_space<hbm>>
      %dma_wait3A_48 = tpu.memref_squeeze %dma_wait3A_47 : memref<1x79x128xi32, #tpu.memory_space<hbm>> -> memref<79x128xi32, #tpu.memory_space<hbm>>
      tpu.wait_dma2 semaphore(%run_scoped3A : memref<!tpu.dma_semaphore, #tpu.memory_space<semaphore_mem>>) src(%dma_wait3A_48 : memref<79x128xi32, #tpu.memory_space<hbm>>) dst(%arg6 : memref<79x128xi32, #tpu.memory_space<vmem>>)
      tpu.yield
    }) : () -> ()
    "tpu.region"() ({
      %run_scoped3A = tpu.sem_alloc : memref<!tpu.dma_semaphore, #tpu.memory_space<semaphore_mem>>
      %dma_start3A = arith.constant 0 : i32
      %dma_start3A_35 = arith.constant 0 : i32
      %dma_start3A_36 = tpu.memref_slice %arg4[%add3A, %dma_start3A, %dma_start3A_35] : memref<32x79x128xi32, #tpu.memory_space<hbm>> -> memref<1x79x128xi32, #tpu.memory_space<hbm>>
      %dma_start3A_37 = tpu.memref_squeeze %dma_start3A_36 : memref<1x79x128xi32, #tpu.memory_space<hbm>> -> memref<79x128xi32, #tpu.memory_space<hbm>>
      %dma_start3A_38 = arith.constant 0 : i32
      %dma_start3A_39 = arith.constant 0 : i32
      %dma_start3A_40 = tpu.memref_slice %arg4[%add3A, %dma_start3A_38, %dma_start3A_39] : memref<32x79x128xi32, #tpu.memory_space<hbm>> -> memref<1x79x128xi32, #tpu.memory_space<hbm>>
      %dma_start3A_41 = tpu.memref_squeeze %dma_start3A_40 : memref<1x79x128xi32, #tpu.memory_space<hbm>> -> memref<79x128xi32, #tpu.memory_space<hbm>>
      tpu.enqueue_dma source(%dma_start3A_41 : memref<79x128xi32, #tpu.memory_space<hbm>>) target(%arg7 : memref<79x128xi32, #tpu.memory_space<vmem>>) target_semaphore(%run_scoped3A : memref<!tpu.dma_semaphore, #tpu.memory_space<semaphore_mem>>)
      %dma_wait3A = arith.constant 0 : i32
      %dma_wait3A_42 = arith.constant 0 : i32
      %dma_wait3A_43 = tpu.memref_slice %arg4[%add3A, %dma_wait3A, %dma_wait3A_42] : memref<32x79x128xi32, #tpu.memory_space<hbm>> -> memref<1x79x128xi32, #tpu.memory_space<hbm>>
      %dma_wait3A_44 = tpu.memref_squeeze %dma_wait3A_43 : memref<1x79x128xi32, #tpu.memory_space<hbm>> -> memref<79x128xi32, #tpu.memory_space<hbm>>
      %dma_wait3A_45 = arith.constant 0 : i32
      %dma_wait3A_46 = arith.constant 0 : i32
      %dma_wait3A_47 = tpu.memref_slice %arg4[%add3A, %dma_wait3A_45, %dma_wait3A_46] : memref<32x79x128xi32, #tpu.memory_space<hbm>> -> memref<1x79x128xi32, #tpu.memory_space<hbm>>
      %dma_wait3A_48 = tpu.memref_squeeze %dma_wait3A_47 : memref<1x79x128xi32, #tpu.memory_space<hbm>> -> memref<79x128xi32, #tpu.memory_space<hbm>>
      tpu.wait_dma2 semaphore(%run_scoped3A : memref<!tpu.dma_semaphore, #tpu.memory_space<semaphore_mem>>) src(%dma_wait3A_48 : memref<79x128xi32, #tpu.memory_space<hbm>>) dst(%arg7 : memref<79x128xi32, #tpu.memory_space<vmem>>)
      tpu.yield
    }) : () -> ()
    %scan3A = arith.constant 0 : i32
    %scan3A_1 = arith.constant 0 : i32
    %scan3A_2 = arith.constant 128 : i32
    %scan3A_3 = arith.addi %scan3A_1, %scan3A_2 : i32
    %scan3A_4 = arith.constant 1 : i32
    scf.for %scan3A_35 = %scan3A_1 to %scan3A_3 step %scan3A_4  : i32 {
      %broadcast_in_dim3A = arith.constant 0.000000e+00 : f32
      %broadcast_in_dim3A_36 = vector.broadcast %broadcast_in_dim3A : f32 to vector<16xf32>
      %swap3A = arith.index_cast %scan3A_35 : i32 to index
      %swap3A_37 = arith.constant 0 : index
      %swap3A_38 = tpu.vector_load %arg8[%swap3A, %swap3A_37] {strides = array<i32>} : memref<128x128xf32, #tpu.memory_space<vmem>>, vector<1x16xf32>,
      %swap3A_39 = vector.shape_cast %swap3A_38 : vector<1x16xf32> to vector<16xf32>
      %swap3A_40 = vector.shape_cast %broadcast_in_dim3A_36 : vector<16xf32> to vector<1x16xf32>
      tpu.vector_store %arg8[%swap3A, %swap3A_37], %swap3A_40 {strides = array<i32>} : memref<128x128xf32, #tpu.memory_space<vmem>>, vector<1x16xf32>,
      %broadcast_in_dim3A_41 = arith.constant 0.000000e+00 : f32
      %broadcast_in_dim3A_42 = vector.broadcast %broadcast_in_dim3A_41 : f32 to vector<16xf32>
      %swap3A_43 = arith.index_cast %scan3A_35 : i32 to index
      %swap3A_44 = arith.constant 16 : index
      %swap3A_45 = tpu.vector_load %arg8[%swap3A_43, %swap3A_44] {strides = array<i32>} : memref<128x128xf32, #tpu.memory_space<vmem>>, vector<1x16xf32>,
      %swap3A_46 = vector.shape_cast %swap3A_45 : vector<1x16xf32> to vector<16xf32>
      %swap3A_47 = vector.shape_cast %broadcast_in_dim3A_42 : vector<16xf32> to vector<1x16xf32>
      tpu.vector_store %arg8[%swap3A_43, %swap3A_44], %swap3A_47 {strides = array<i32>} : memref<128x128xf32, #tpu.memory_space<vmem>>, vector<1x16xf32>,
      %broadcast_in_dim3A_48 = arith.constant 0.000000e+00 : f32
      %broadcast_in_dim3A_49 = vector.broadcast %broadcast_in_dim3A_48 : f32 to vector<16xf32>
      %swap3A_50 = arith.index_cast %scan3A_35 : i32 to index
      %swap3A_51 = arith.constant 32 : index
      %swap3A_52 = tpu.vector_load %arg8[%swap3A_50, %swap3A_51] {strides = array<i32>} : memref<128x128xf32, #tpu.memory_space<vmem>>, vector<1x16xf32>,
      %swap3A_53 = vector.shape_cast %swap3A_52 : vector<1x16xf32> to vector<16xf32>
      %swap3A_54 = vector.shape_cast %broadcast_in_dim3A_49 : vector<16xf32> to vector<1x16xf32>
      tpu.vector_store %arg8[%swap3A_50, %swap3A_51], %swap3A_54 {strides = array<i32>} : memref<128x128xf32, #tpu.memory_space<vmem>>, vector<1x16xf32>,
      %broadcast_in_dim3A_55 = arith.constant 0.000000e+00 : f32
      %broadcast_in_dim3A_56 = vector.broadcast %broadcast_in_dim3A_55 : f32 to vector<16xf32>
      %swap3A_57 = arith.index_cast %scan3A_35 : i32 to index
      %swap3A_58 = arith.constant 48 : index
      %swap3A_59 = tpu.vector_load %arg8[%swap3A_57, %swap3A_58] {strides = array<i32>} : memref<128x128xf32, #tpu.memory_space<vmem>>, vector<1x16xf32>,
      %swap3A_60 = vector.shape_cast %swap3A_59 : vector<1x16xf32> to vector<16xf32>
      %swap3A_61 = vector.shape_cast %broadcast_in_dim3A_56 : vector<16xf32> to vector<1x16xf32>
      tpu.vector_store %arg8[%swap3A_57, %swap3A_58], %swap3A_61 {strides = array<i32>} : memref<128x128xf32, #tpu.memory_space<vmem>>, vector<1x16xf32>,
      %broadcast_in_dim3A_62 = arith.constant 0.000000e+00 : f32
      %broadcast_in_dim3A_63 = vector.broadcast %broadcast_in_dim3A_62 : f32 to vector<16xf32>
      %swap3A_64 = arith.index_cast %scan3A_35 : i32 to index
      %swap3A_65 = arith.constant 64 : index
      %swap3A_66 = tpu.vector_load %arg8[%swap3A_64, %swap3A_65] {strides = array<i32>} : memref<128x128xf32, #tpu.memory_space<vmem>>, vector<1x16xf32>,
      %swap3A_67 = vector.shape_cast %swap3A_66 : vector<1x16xf32> to vector<16xf32>
      %swap3A_68 = vector.shape_cast %broadcast_in_dim3A_63 : vector<16xf32> to vector<1x16xf32>
      tpu.vector_store %arg8[%swap3A_64, %swap3A_65], %swap3A_68 {strides = array<i32>} : memref<128x128xf32, #tpu.memory_space<vmem>>, vector<1x16xf32>,
      %broadcast_in_dim3A_69 = arith.constant 0.000000e+00 : f32
      %broadcast_in_dim3A_70 = vector.broadcast %broadcast_in_dim3A_69 : f32 to vector<16xf32>
      %swap3A_71 = arith.index_cast %scan3A_35 : i32 to index
      %swap3A_72 = arith.constant 80 : index
      %swap3A_73 = tpu.vector_load %arg8[%swap3A_71, %swap3A_72] {strides = array<i32>} : memref<128x128xf32, #tpu.memory_space<vmem>>, vector<1x16xf32>,
      %swap3A_74 = vector.shape_cast %swap3A_73 : vector<1x16xf32> to vector<16xf32>
      %swap3A_75 = vector.shape_cast %broadcast_in_dim3A_70 : vector<16xf32> to vector<1x16xf32>
      tpu.vector_store %arg8[%swap3A_71, %swap3A_72], %swap3A_75 {strides = array<i32>} : memref<128x128xf32, #tpu.memory_space<vmem>>, vector<1x16xf32>,
      %broadcast_in_dim3A_76 = arith.constant 0.000000e+00 : f32
      %broadcast_in_dim3A_77 = vector.broadcast %broadcast_in_dim3A_76 : f32 to vector<16xf32>
      %swap3A_78 = arith.index_cast %scan3A_35 : i32 to index
      %swap3A_79 = arith.constant 96 : index
      %swap3A_80 = tpu.vector_load %arg8[%swap3A_78, %swap3A_79] {strides = array<i32>} : memref<128x128xf32, #tpu.memory_space<vmem>>, vector<1x16xf32>,
      %swap3A_81 = vector.shape_cast %swap3A_80 : vector<1x16xf32> to vector<16xf32>
      %swap3A_82 = vector.shape_cast %broadcast_in_dim3A_77 : vector<16xf32> to vector<1x16xf32>
      tpu.vector_store %arg8[%swap3A_78, %swap3A_79], %swap3A_82 {strides = array<i32>} : memref<128x128xf32, #tpu.memory_space<vmem>>, vector<1x16xf32>,
      %broadcast_in_dim3A_83 = arith.constant 0.000000e+00 : f32
      %broadcast_in_dim3A_84 = vector.broadcast %broadcast_in_dim3A_83 : f32 to vector<16xf32>
      %swap3A_85 = arith.index_cast %scan3A_35 : i32 to index
      %swap3A_86 = arith.constant 112 : index
      %swap3A_87 = tpu.vector_load %arg8[%swap3A_85, %swap3A_86] {strides = array<i32>} : memref<128x128xf32, #tpu.memory_space<vmem>>, vector<1x16xf32>,
      %swap3A_88 = vector.shape_cast %swap3A_87 : vector<1x16xf32> to vector<16xf32>
      %swap3A_89 = vector.shape_cast %broadcast_in_dim3A_84 : vector<16xf32> to vector<1x16xf32>
      tpu.vector_store %arg8[%swap3A_85, %swap3A_86], %swap3A_89 {strides = array<i32>} : memref<128x128xf32, #tpu.memory_space<vmem>>, vector<1x16xf32>,
    }
    %scan3A_5 = arith.constant 128 : i32
    %mul3A_6 = arith.constant 640 : i32
    %mul3A_7 = arith.muli %arg1, %mul3A_6 : i32
    %add3A_8 = arith.constant 0 : i32
    %add3A_9 = arith.addi %mul3A_7, %add3A_8 : i32
    "tpu.region"() ({
      %run_scoped3A = tpu.sem_alloc : memref<!tpu.dma_semaphore, #tpu.memory_space<semaphore_mem>>
      %dma_start3A = arith.constant 0 : i32
      %dma_start3A_35 = tpu.memref_slice %arg9[%add3A_9, %dma_start3A] : memref<10240x128xf32, #tpu.memory_space<vmem_shared>> -> memref<128x128xf32, #tpu.memory_space<vmem_shared>>
      %dma_start3A_36 = arith.constant 0 : i32
      %dma_start3A_37 = tpu.memref_slice %arg9[%add3A_9, %dma_start3A_36] : memref<10240x128xf32, #tpu.memory_space<vmem_shared>> -> memref<128x128xf32, #tpu.memory_space<vmem_shared>>
      tpu.enqueue_dma source(%arg8 : memref<128x128xf32, #tpu.memory_space<vmem>>) target(%dma_start3A_37 : memref<128x128xf32, #tpu.memory_space<vmem_shared>>) target_semaphore(%run_scoped3A : memref<!tpu.dma_semaphore, #tpu.memory_space<semaphore_mem>>)
      %dma_wait3A = arith.constant 0 : i32
      %dma_wait3A_38 = tpu.memref_slice %arg9[%add3A_9, %dma_wait3A] : memref<10240x128xf32, #tpu.memory_space<vmem_shared>> -> memref<128x128xf32, #tpu.memory_space<vmem_shared>>
      %dma_wait3A_39 = arith.constant 0 : i32
      %dma_wait3A_40 = tpu.memref_slice %arg9[%add3A_9, %dma_wait3A_39] : memref<10240x128xf32, #tpu.memory_space<vmem_shared>> -> memref<128x128xf32, #tpu.memory_space<vmem_shared>>
      tpu.wait_dma2 semaphore(%run_scoped3A : memref<!tpu.dma_semaphore, #tpu.memory_space<semaphore_mem>>) src(%arg8 : memref<128x128xf32, #tpu.memory_space<vmem>>) dst(%dma_wait3A_40 : memref<128x128xf32, #tpu.memory_space<vmem_shared>>)
      tpu.yield
    }) : () -> ()
    %add3A_10 = arith.constant 128 : i32
    %add3A_11 = arith.addi %mul3A_7, %add3A_10 : i32
    "tpu.region"() ({
      %run_scoped3A = tpu.sem_alloc : memref<!tpu.dma_semaphore, #tpu.memory_space<semaphore_mem>>
      %dma_start3A = arith.constant 0 : i32
      %dma_start3A_35 = tpu.memref_slice %arg9[%add3A_11, %dma_start3A] : memref<10240x128xf32, #tpu.memory_space<vmem_shared>> -> memref<128x128xf32, #tpu.memory_space<vmem_shared>>
      %dma_start3A_36 = arith.constant 0 : i32
      %dma_start3A_37 = tpu.memref_slice %arg9[%add3A_11, %dma_start3A_36] : memref<10240x128xf32, #tpu.memory_space<vmem_shared>> -> memref<128x128xf32, #tpu.memory_space<vmem_shared>>
      tpu.enqueue_dma source(%arg8 : memref<128x128xf32, #tpu.memory_space<vmem>>) target(%dma_start3A_37 : memref<128x128xf32, #tpu.memory_space<vmem_shared>>) target_semaphore(%run_scoped3A : memref<!tpu.dma_semaphore, #tpu.memory_space<semaphore_mem>>)
      %dma_wait3A = arith.constant 0 : i32
      %dma_wait3A_38 = tpu.memref_slice %arg9[%add3A_11, %dma_wait3A] : memref<10240x128xf32, #tpu.memory_space<vmem_shared>> -> memref<128x128xf32, #tpu.memory_space<vmem_shared>>
      %dma_wait3A_39 = arith.constant 0 : i32
      %dma_wait3A_40 = tpu.memref_slice %arg9[%add3A_11, %dma_wait3A_39] : memref<10240x128xf32, #tpu.memory_space<vmem_shared>> -> memref<128x128xf32, #tpu.memory_space<vmem_shared>>
      tpu.wait_dma2 semaphore(%run_scoped3A : memref<!tpu.dma_semaphore, #tpu.memory_space<semaphore_mem>>) src(%arg8 : memref<128x128xf32, #tpu.memory_space<vmem>>) dst(%dma_wait3A_40 : memref<128x128xf32, #tpu.memory_space<vmem_shared>>)
      tpu.yield
    }) : () -> ()
    %add3A_12 = arith.constant 256 : i32
    %add3A_13 = arith.addi %mul3A_7, %add3A_12 : i32
    "tpu.region"() ({
      %run_scoped3A = tpu.sem_alloc : memref<!tpu.dma_semaphore, #tpu.memory_space<semaphore_mem>>
      %dma_start3A = arith.constant 0 : i32
      %dma_start3A_35 = tpu.memref_slice %arg9[%add3A_13, %dma_start3A] : memref<10240x128xf32, #tpu.memory_space<vmem_shared>> -> memref<128x128xf32, #tpu.memory_space<vmem_shared>>
      %dma_start3A_36 = arith.constant 0 : i32
      %dma_start3A_37 = tpu.memref_slice %arg9[%add3A_13, %dma_start3A_36] : memref<10240x128xf32, #tpu.memory_space<vmem_shared>> -> memref<128x128xf32, #tpu.memory_space<vmem_shared>>
      tpu.enqueue_dma source(%arg8 : memref<128x128xf32, #tpu.memory_space<vmem>>) target(%dma_start3A_37 : memref<128x128xf32, #tpu.memory_space<vmem_shared>>) target_semaphore(%run_scoped3A : memref<!tpu.dma_semaphore, #tpu.memory_space<semaphore_mem>>)
      %dma_wait3A = arith.constant 0 : i32
      %dma_wait3A_38 = tpu.memref_slice %arg9[%add3A_13, %dma_wait3A] : memref<10240x128xf32, #tpu.memory_space<vmem_shared>> -> memref<128x128xf32, #tpu.memory_space<vmem_shared>>
      %dma_wait3A_39 = arith.constant 0 : i32
      %dma_wait3A_40 = tpu.memref_slice %arg9[%add3A_13, %dma_wait3A_39] : memref<10240x128xf32, #tpu.memory_space<vmem_shared>> -> memref<128x128xf32, #tpu.memory_space<vmem_shared>>
      tpu.wait_dma2 semaphore(%run_scoped3A : memref<!tpu.dma_semaphore, #tpu.memory_space<semaphore_mem>>) src(%arg8 : memref<128x128xf32, #tpu.memory_space<vmem>>) dst(%dma_wait3A_40 : memref<128x128xf32, #tpu.memory_space<vmem_shared>>)
      tpu.yield
    }) : () -> ()
    %add3A_14 = arith.constant 384 : i32
    %add3A_15 = arith.addi %mul3A_7, %add3A_14 : i32
    "tpu.region"() ({
      %run_scoped3A = tpu.sem_alloc : memref<!tpu.dma_semaphore, #tpu.memory_space<semaphore_mem>>
      %dma_start3A = arith.constant 0 : i32
      %dma_start3A_35 = tpu.memref_slice %arg9[%add3A_15, %dma_start3A] : memref<10240x128xf32, #tpu.memory_space<vmem_shared>> -> memref<128x128xf32, #tpu.memory_space<vmem_shared>>
      %dma_start3A_36 = arith.constant 0 : i32
      %dma_start3A_37 = tpu.memref_slice %arg9[%add3A_15, %dma_start3A_36] : memref<10240x128xf32, #tpu.memory_space<vmem_shared>> -> memref<128x128xf32, #tpu.memory_space<vmem_shared>>
      tpu.enqueue_dma source(%arg8 : memref<128x128xf32, #tpu.memory_space<vmem>>) target(%dma_start3A_37 : memref<128x128xf32, #tpu.memory_space<vmem_shared>>) target_semaphore(%run_scoped3A : memref<!tpu.dma_semaphore, #tpu.memory_space<semaphore_mem>>)
      %dma_wait3A = arith.constant 0 : i32
      %dma_wait3A_38 = tpu.memref_slice %arg9[%add3A_15, %dma_wait3A] : memref<10240x128xf32, #tpu.memory_space<vmem_shared>> -> memref<128x128xf32, #tpu.memory_space<vmem_shared>>
      %dma_wait3A_39 = arith.constant 0 : i32
      %dma_wait3A_40 = tpu.memref_slice %arg9[%add3A_15, %dma_wait3A_39] : memref<10240x128xf32, #tpu.memory_space<vmem_shared>> -> memref<128x128xf32, #tpu.memory_space<vmem_shared>>
      tpu.wait_dma2 semaphore(%run_scoped3A : memref<!tpu.dma_semaphore, #tpu.memory_space<semaphore_mem>>) src(%arg8 : memref<128x128xf32, #tpu.memory_space<vmem>>) dst(%dma_wait3A_40 : memref<128x128xf32, #tpu.memory_space<vmem_shared>>)
      tpu.yield
    }) : () -> ()
    %add3A_16 = arith.constant 512 : i32
    %add3A_17 = arith.addi %mul3A_7, %add3A_16 : i32
    "tpu.region"() ({
      %run_scoped3A = tpu.sem_alloc : memref<!tpu.dma_semaphore, #tpu.memory_space<semaphore_mem>>
      %dma_start3A = arith.constant 0 : i32
      %dma_start3A_35 = tpu.memref_slice %arg9[%add3A_17, %dma_start3A] : memref<10240x128xf32, #tpu.memory_space<vmem_shared>> -> memref<128x128xf32, #tpu.memory_space<vmem_shared>>
      %dma_start3A_36 = arith.constant 0 : i32
      %dma_start3A_37 = tpu.memref_slice %arg9[%add3A_17, %dma_start3A_36] : memref<10240x128xf32, #tpu.memory_space<vmem_shared>> -> memref<128x128xf32, #tpu.memory_space<vmem_shared>>
      tpu.enqueue_dma source(%arg8 : memref<128x128xf32, #tpu.memory_space<vmem>>) target(%dma_start3A_37 : memref<128x128xf32, #tpu.memory_space<vmem_shared>>) target_semaphore(%run_scoped3A : memref<!tpu.dma_semaphore, #tpu.memory_space<semaphore_mem>>)
      %dma_wait3A = arith.constant 0 : i32
      %dma_wait3A_38 = tpu.memref_slice %arg9[%add3A_17, %dma_wait3A] : memref<10240x128xf32, #tpu.memory_space<vmem_shared>> -> memref<128x128xf32, #tpu.memory_space<vmem_shared>>
      %dma_wait3A_39 = arith.constant 0 : i32
      %dma_wait3A_40 = tpu.memref_slice %arg9[%add3A_17, %dma_wait3A_39] : memref<10240x128xf32, #tpu.memory_space<vmem_shared>> -> memref<128x128xf32, #tpu.memory_space<vmem_shared>>
      tpu.wait_dma2 semaphore(%run_scoped3A : memref<!tpu.dma_semaphore, #tpu.memory_space<semaphore_mem>>) src(%arg8 : memref<128x128xf32, #tpu.memory_space<vmem>>) dst(%dma_wait3A_40 : memref<128x128xf32, #tpu.memory_space<vmem_shared>>)
      tpu.yield
    }) : () -> ()
    %barrier3A = arith.constant 0 : index
    tpu.barrier barrier_id(%barrier3A)
    %scan3A_18 = arith.constant 0 : i32
    %scan3A_19 = arith.constant 0 : i32
    %scan3A_20 = arith.constant 79 : i32
    %scan3A_21 = arith.addi %scan3A_19, %scan3A_20 : i32
    %scan3A_22 = arith.constant 1 : i32
    scf.for %scan3A_35 = %scan3A_19 to %scan3A_21 step %scan3A_22  : i32 {
      "tpu.region"() ({
        %run_scoped3A = tpu.sem_alloc : memref<!tpu.dma_semaphore, #tpu.memory_space<semaphore_mem>>
        %dma_start3A = arith.constant 0 : i32
        %dma_start3A_36 = tpu.memref_slice %arg6[%scan3A_35, %dma_start3A] : memref<79x128xi32, #tpu.memory_space<vmem>> -> memref<1x128xi32, #tpu.memory_space<vmem>>
        %dma_start3A_37 = tpu.memref_squeeze %dma_start3A_36 : memref<1x128xi32, #tpu.memory_space<vmem>> -> memref<128xi32, #tpu.memory_space<vmem>>
        %dma_start3A_38 = arith.constant 0 : i32
        %dma_start3A_39 = arith.constant 0 : i32
        %dma_start3A_40 = tpu.memref_slice %arg2[%dma_start3A_38, %dma_start3A_39] : memref<10240x128xf32, #tpu.memory_space<hbm>> -> memref<10240x128xf32, #tpu.memory_space<hbm>>
        tpu.enqueue_indirect_dma source(%dma_start3A_40 : memref<10240x128xf32, #tpu.memory_space<hbm>>) target(%arg8 : memref<128x128xf32, #tpu.memory_space<vmem>>) offsets(%dma_start3A_37 : memref<128xi32, #tpu.memory_space<vmem>>) semaphore(%run_scoped3A : memref<!tpu.dma_semaphore, #tpu.memory_space<semaphore_mem>>)
        %dma_wait3A = arith.constant 0 : i32
        %dma_wait3A_41 = tpu.memref_slice %arg6[%scan3A_35, %dma_wait3A] : memref<79x128xi32, #tpu.memory_space<vmem>> -> memref<1x128xi32, #tpu.memory_space<vmem>>
        %dma_wait3A_42 = tpu.memref_squeeze %dma_wait3A_41 : memref<1x128xi32, #tpu.memory_space<vmem>> -> memref<128xi32, #tpu.memory_space<vmem>>
        %dma_wait3A_43 = arith.constant 0 : i32
        %dma_wait3A_44 = arith.constant 0 : i32
        %dma_wait3A_45 = tpu.memref_slice %arg2[%dma_wait3A_43, %dma_wait3A_44] : memref<10240x128xf32, #tpu.memory_space<hbm>> -> memref<10240x128xf32, #tpu.memory_space<hbm>>
        tpu.wait_indirect_dma semaphore(%run_scoped3A : memref<!tpu.dma_semaphore, #tpu.memory_space<semaphore_mem>>) src(%dma_wait3A_45 : memref<10240x128xf32, #tpu.memory_space<hbm>>) dst(%arg8 : memref<128x128xf32, #tpu.memory_space<vmem>>)
        tpu.yield
      }) : () -> ()
      "tpu.region"() ({
        %run_scoped3A = tpu.sem_alloc : memref<!tpu.dma_semaphore, #tpu.memory_space<semaphore_mem>>
        %dma_start3A = arith.constant 0 : i32
        %dma_start3A_36 = tpu.memref_slice %arg7[%scan3A_35, %dma_start3A] : memref<79x128xi32, #tpu.memory_space<vmem>> -> memref<1x128xi32, #tpu.memory_space<vmem>>
        %dma_start3A_37 = tpu.memref_squeeze %dma_start3A_36 : memref<1x128xi32, #tpu.memory_space<vmem>> -> memref<128xi32, #tpu.memory_space<vmem>>
        %dma_start3A_38 = arith.constant 0 : i32
        %dma_start3A_39 = arith.constant 0 : i32
        %dma_start3A_40 = tpu.memref_slice %arg9[%dma_start3A_38, %dma_start3A_39] : memref<10240x128xf32, #tpu.memory_space<vmem_shared>> -> memref<10240x128xf32, #tpu.memory_space<vmem_shared>>
        tpu.enqueue_indirect_dma source(%arg8 : memref<128x128xf32, #tpu.memory_space<vmem>>) target(%dma_start3A_40 : memref<10240x128xf32, #tpu.memory_space<vmem_shared>>) offsets(%dma_start3A_37 : memref<128xi32, #tpu.memory_space<vmem>>) semaphore(%run_scoped3A : memref<!tpu.dma_semaphore, #tpu.memory_space<semaphore_mem>>) {add = true}
        %dma_wait3A = arith.constant 0 : i32
        %dma_wait3A_41 = tpu.memref_slice %arg7[%scan3A_35, %dma_wait3A] : memref<79x128xi32, #tpu.memory_space<vmem>> -> memref<1x128xi32, #tpu.memory_space<vmem>>
        %dma_wait3A_42 = tpu.memref_squeeze %dma_wait3A_41 : memref<1x128xi32, #tpu.memory_space<vmem>> -> memref<128xi32, #tpu.memory_space<vmem>>
        %dma_wait3A_43 = arith.constant 0 : i32
        %dma_wait3A_44 = arith.constant 0 : i32
        %dma_wait3A_45 = tpu.memref_slice %arg9[%dma_wait3A_43, %dma_wait3A_44] : memref<10240x128xf32, #tpu.memory_space<vmem_shared>> -> memref<10240x128xf32, #tpu.memory_space<vmem_shared>>
        tpu.wait_indirect_dma semaphore(%run_scoped3A : memref<!tpu.dma_semaphore, #tpu.memory_space<semaphore_mem>>) src(%arg8 : memref<128x128xf32, #tpu.memory_space<vmem>>) dst(%dma_wait3A_45 : memref<10240x128xf32, #tpu.memory_space<vmem_shared>>)
        tpu.yield
      }) : () -> ()
    }
    %scan3A_23 = arith.constant 79 : i32
    %barrier3A_24 = arith.constant 0 : index
    tpu.barrier barrier_id(%barrier3A_24)
    %add3A_25 = arith.constant 0 : i32
    %add3A_26 = arith.addi %mul3A_7, %add3A_25 : i32
    "tpu.region"() ({
      %run_scoped3A = tpu.sem_alloc : memref<!tpu.dma_semaphore, #tpu.memory_space<semaphore_mem>>
      %dma_start3A = arith.constant 0 : i32
      %dma_start3A_35 = tpu.memref_slice %arg5[%arg0, %add3A_26, %dma_start3A] : memref<2x10240x128xf32, #tpu.memory_space<hbm>> -> memref<1x128x128xf32, #tpu.memory_space<hbm>>
      %dma_start3A_36 = tpu.memref_squeeze %dma_start3A_35 : memref<1x128x128xf32, #tpu.memory_space<hbm>> -> memref<128x128xf32, #tpu.memory_space<hbm>>
      %dma_start3A_37 = arith.constant 0 : i32
      %dma_start3A_38 = tpu.memref_slice %arg9[%add3A_26, %dma_start3A_37] : memref<10240x128xf32, #tpu.memory_space<vmem_shared>> -> memref<128x128xf32, #tpu.memory_space<vmem_shared>>
      tpu.enqueue_dma source(%dma_start3A_38 : memref<128x128xf32, #tpu.memory_space<vmem_shared>>) target(%dma_start3A_36 : memref<128x128xf32, #tpu.memory_space<hbm>>) target_semaphore(%run_scoped3A : memref<!tpu.dma_semaphore, #tpu.memory_space<semaphore_mem>>)
      %dma_wait3A = arith.constant 0 : i32
      %dma_wait3A_39 = tpu.memref_slice %arg5[%arg0, %add3A_26, %dma_wait3A] : memref<2x10240x128xf32, #tpu.memory_space<hbm>> -> memref<1x128x128xf32, #tpu.memory_space<hbm>>
      %dma_wait3A_40 = tpu.memref_squeeze %dma_wait3A_39 : memref<1x128x128xf32, #tpu.memory_space<hbm>> -> memref<128x128xf32, #tpu.memory_space<hbm>>
      %dma_wait3A_41 = arith.constant 0 : i32
      %dma_wait3A_42 = tpu.memref_slice %arg9[%add3A_26, %dma_wait3A_41] : memref<10240x128xf32, #tpu.memory_space<vmem_shared>> -> memref<128x128xf32, #tpu.memory_space<vmem_shared>>
      tpu.wait_dma2 semaphore(%run_scoped3A : memref<!tpu.dma_semaphore, #tpu.memory_space<semaphore_mem>>) src(%dma_wait3A_42 : memref<128x128xf32, #tpu.memory_space<vmem_shared>>) dst(%dma_wait3A_40 : memref<128x128xf32, #tpu.memory_space<hbm>>)
      tpu.yield
    }) : () -> ()
    %add3A_27 = arith.constant 128 : i32
    %add3A_28 = arith.addi %mul3A_7, %add3A_27 : i32
    "tpu.region"() ({
      %run_scoped3A = tpu.sem_alloc : memref<!tpu.dma_semaphore, #tpu.memory_space<semaphore_mem>>
      %dma_start3A = arith.constant 0 : i32
      %dma_start3A_35 = tpu.memref_slice %arg5[%arg0, %add3A_28, %dma_start3A] : memref<2x10240x128xf32, #tpu.memory_space<hbm>> -> memref<1x128x128xf32, #tpu.memory_space<hbm>>
      %dma_start3A_36 = tpu.memref_squeeze %dma_start3A_35 : memref<1x128x128xf32, #tpu.memory_space<hbm>> -> memref<128x128xf32, #tpu.memory_space<hbm>>
      %dma_start3A_37 = arith.constant 0 : i32
      %dma_start3A_38 = tpu.memref_slice %arg9[%add3A_28, %dma_start3A_37] : memref<10240x128xf32, #tpu.memory_space<vmem_shared>> -> memref<128x128xf32, #tpu.memory_space<vmem_shared>>
      tpu.enqueue_dma source(%dma_start3A_38 : memref<128x128xf32, #tpu.memory_space<vmem_shared>>) target(%dma_start3A_36 : memref<128x128xf32, #tpu.memory_space<hbm>>) target_semaphore(%run_scoped3A : memref<!tpu.dma_semaphore, #tpu.memory_space<semaphore_mem>>)
      %dma_wait3A = arith.constant 0 : i32
      %dma_wait3A_39 = tpu.memref_slice %arg5[%arg0, %add3A_28, %dma_wait3A] : memref<2x10240x128xf32, #tpu.memory_space<hbm>> -> memref<1x128x128xf32, #tpu.memory_space<hbm>>
      %dma_wait3A_40 = tpu.memref_squeeze %dma_wait3A_39 : memref<1x128x128xf32, #tpu.memory_space<hbm>> -> memref<128x128xf32, #tpu.memory_space<hbm>>
      %dma_wait3A_41 = arith.constant 0 : i32
      %dma_wait3A_42 = tpu.memref_slice %arg9[%add3A_28, %dma_wait3A_41] : memref<10240x128xf32, #tpu.memory_space<vmem_shared>> -> memref<128x128xf32, #tpu.memory_space<vmem_shared>>
      tpu.wait_dma2 semaphore(%run_scoped3A : memref<!tpu.dma_semaphore, #tpu.memory_space<semaphore_mem>>) src(%dma_wait3A_42 : memref<128x128xf32, #tpu.memory_space<vmem_shared>>) dst(%dma_wait3A_40 : memref<128x128xf32, #tpu.memory_space<hbm>>)
      tpu.yield
    }) : () -> ()
    %add3A_29 = arith.constant 256 : i32
    %add3A_30 = arith.addi %mul3A_7, %add3A_29 : i32
    "tpu.region"() ({
      %run_scoped3A = tpu.sem_alloc : memref<!tpu.dma_semaphore, #tpu.memory_space<semaphore_mem>>
      %dma_start3A = arith.constant 0 : i32
      %dma_start3A_35 = tpu.memref_slice %arg5[%arg0, %add3A_30, %dma_start3A] : memref<2x10240x128xf32, #tpu.memory_space<hbm>> -> memref<1x128x128xf32, #tpu.memory_space<hbm>>
      %dma_start3A_36 = tpu.memref_squeeze %dma_start3A_35 : memref<1x128x128xf32, #tpu.memory_space<hbm>> -> memref<128x128xf32, #tpu.memory_space<hbm>>
      %dma_start3A_37 = arith.constant 0 : i32
      %dma_start3A_38 = tpu.memref_slice %arg9[%add3A_30, %dma_start3A_37] : memref<10240x128xf32, #tpu.memory_space<vmem_shared>> -> memref<128x128xf32, #tpu.memory_space<vmem_shared>>
      tpu.enqueue_dma source(%dma_start3A_38 : memref<128x128xf32, #tpu.memory_space<vmem_shared>>) target(%dma_start3A_36 : memref<128x128xf32, #tpu.memory_space<hbm>>) target_semaphore(%run_scoped3A : memref<!tpu.dma_semaphore, #tpu.memory_space<semaphore_mem>>)
      %dma_wait3A = arith.constant 0 : i32
      %dma_wait3A_39 = tpu.memref_slice %arg5[%arg0, %add3A_30, %dma_wait3A] : memref<2x10240x128xf32, #tpu.memory_space<hbm>> -> memref<1x128x128xf32, #tpu.memory_space<hbm>>
      %dma_wait3A_40 = tpu.memref_squeeze %dma_wait3A_39 : memref<1x128x128xf32, #tpu.memory_space<hbm>> -> memref<128x128xf32, #tpu.memory_space<hbm>>
      %dma_wait3A_41 = arith.constant 0 : i32
      %dma_wait3A_42 = tpu.memref_slice %arg9[%add3A_30, %dma_wait3A_41] : memref<10240x128xf32, #tpu.memory_space<vmem_shared>> -> memref<128x128xf32, #tpu.memory_space<vmem_shared>>
      tpu.wait_dma2 semaphore(%run_scoped3A : memref<!tpu.dma_semaphore, #tpu.memory_space<semaphore_mem>>) src(%dma_wait3A_42 : memref<128x128xf32, #tpu.memory_space<vmem_shared>>) dst(%dma_wait3A_40 : memref<128x128xf32, #tpu.memory_space<hbm>>)
      tpu.yield
    }) : () -> ()
    %add3A_31 = arith.constant 384 : i32
    %add3A_32 = arith.addi %mul3A_7, %add3A_31 : i32
    "tpu.region"() ({
      %run_scoped3A = tpu.sem_alloc : memref<!tpu.dma_semaphore, #tpu.memory_space<semaphore_mem>>
      %dma_start3A = arith.constant 0 : i32
      %dma_start3A_35 = tpu.memref_slice %arg5[%arg0, %add3A_32, %dma_start3A] : memref<2x10240x128xf32, #tpu.memory_space<hbm>> -> memref<1x128x128xf32, #tpu.memory_space<hbm>>
      %dma_start3A_36 = tpu.memref_squeeze %dma_start3A_35 : memref<1x128x128xf32, #tpu.memory_space<hbm>> -> memref<128x128xf32, #tpu.memory_space<hbm>>
      %dma_start3A_37 = arith.constant 0 : i32
      %dma_start3A_38 = tpu.memref_slice %arg9[%add3A_32, %dma_start3A_37] : memref<10240x128xf32, #tpu.memory_space<vmem_shared>> -> memref<128x128xf32, #tpu.memory_space<vmem_shared>>
      tpu.enqueue_dma source(%dma_start3A_38 : memref<128x128xf32, #tpu.memory_space<vmem_shared>>) target(%dma_start3A_36 : memref<128x128xf32, #tpu.memory_space<hbm>>) target_semaphore(%run_scoped3A : memref<!tpu.dma_semaphore, #tpu.memory_space<semaphore_mem>>)
      %dma_wait3A = arith.constant 0 : i32
      %dma_wait3A_39 = tpu.memref_slice %arg5[%arg0, %add3A_32, %dma_wait3A] : memref<2x10240x128xf32, #tpu.memory_space<hbm>> -> memref<1x128x128xf32, #tpu.memory_space<hbm>>
      %dma_wait3A_40 = tpu.memref_squeeze %dma_wait3A_39 : memref<1x128x128xf32, #tpu.memory_space<hbm>> -> memref<128x128xf32, #tpu.memory_space<hbm>>
      %dma_wait3A_41 = arith.constant 0 : i32
      %dma_wait3A_42 = tpu.memref_slice %arg9[%add3A_32, %dma_wait3A_41] : memref<10240x128xf32, #tpu.memory_space<vmem_shared>> -> memref<128x128xf32, #tpu.memory_space<vmem_shared>>
      tpu.wait_dma2 semaphore(%run_scoped3A : memref<!tpu.dma_semaphore, #tpu.memory_space<semaphore_mem>>) src(%dma_wait3A_42 : memref<128x128xf32, #tpu.memory_space<vmem_shared>>) dst(%dma_wait3A_40 : memref<128x128xf32, #tpu.memory_space<hbm>>)
      tpu.yield
    }) : () -> ()
    %add3A_33 = arith.constant 512 : i32
    %add3A_34 = arith.addi %mul3A_7, %add3A_33 : i32
    "tpu.region"() ({
      %run_scoped3A = tpu.sem_alloc : memref<!tpu.dma_semaphore, #tpu.memory_space<semaphore_mem>>
      %dma_start3A = arith.constant 0 : i32
      %dma_start3A_35 = tpu.memref_slice %arg5[%arg0, %add3A_34, %dma_start3A] : memref<2x10240x128xf32, #tpu.memory_space<hbm>> -> memref<1x128x128xf32, #tpu.memory_space<hbm>>
      %dma_start3A_36 = tpu.memref_squeeze %dma_start3A_35 : memref<1x128x128xf32, #tpu.memory_space<hbm>> -> memref<128x128xf32, #tpu.memory_space<hbm>>
      %dma_start3A_37 = arith.constant 0 : i32
      %dma_start3A_38 = tpu.memref_slice %arg9[%add3A_34, %dma_start3A_37] : memref<10240x128xf32, #tpu.memory_space<vmem_shared>> -> memref<128x128xf32, #tpu.memory_space<vmem_shared>>
      tpu.enqueue_dma source(%dma_start3A_38 : memref<128x128xf32, #tpu.memory_space<vmem_shared>>) target(%dma_start3A_36 : memref<128x128xf32, #tpu.memory_space<hbm>>) target_semaphore(%run_scoped3A : memref<!tpu.dma_semaphore, #tpu.memory_space<semaphore_mem>>)
      %dma_wait3A = arith.constant 0 : i32
      %dma_wait3A_39 = tpu.memref_slice %arg5[%arg0, %add3A_34, %dma_wait3A] : memref<2x10240x128xf32, #tpu.memory_space<hbm>> -> memref<1x128x128xf32, #tpu.memory_space<hbm>>
      %dma_wait3A_40 = tpu.memref_squeeze %dma_wait3A_39 : memref<1x128x128xf32, #tpu.memory_space<hbm>> -> memref<128x128xf32, #tpu.memory_space<hbm>>
      %dma_wait3A_41 = arith.constant 0 : i32
      %dma_wait3A_42 = tpu.memref_slice %arg9[%add3A_34, %dma_wait3A_41] : memref<10240x128xf32, #tpu.memory_space<vmem_shared>> -> memref<128x128xf32, #tpu.memory_space<vmem_shared>>
      tpu.wait_dma2 semaphore(%run_scoped3A : memref<!tpu.dma_semaphore, #tpu.memory_space<semaphore_mem>>) src(%dma_wait3A_42 : memref<128x128xf32, #tpu.memory_space<vmem_shared>>) dst(%dma_wait3A_40 : memref<128x128xf32, #tpu.memory_space<hbm>>)
      tpu.yield
    }) : () -> ()
    return
  }
}

module attributes {stable_mosaic.version = 14 : i64} {
  func.func @_tc1_body(%arg0: i32, %arg1: memref<1280x128xf32, #tpu.memory_space<vmem>>, %arg2: memref<128x128xf32, #tpu.memory_space<vmem>>, %arg3: memref<1280x16xf32, #tpu.memory_space<vmem>>, %arg4: memref<1280x16xf32, #tpu.memory_space<vmem>>, %arg5: memref<1280x128xf32, #tpu.memory_space<vmem>>) attributes {dimension_semantics = [#tpu.dimension_semantics<arbitrary>], iteration_bounds = array<i64: 8>, scalar_prefetch = 0 : i64, scratch_operands = 0 : i64, tpu.core_type = #tpu.core_type<tc>, window_params = [{transform_indices = @transform_0, window_bounds = array<i64: 1280, 128>}, {pipeline_mode = #tpu.pipeline_mode<synchronous>, transform_indices = @transform_1, window_bounds = array<i64: 128, 128>}, {transform_indices = @transform_2, window_bounds = array<i64: 1280, 16>}, {transform_indices = @transform_3, window_bounds = array<i64: 1280, 16>}, {transform_indices = @transform_4, window_bounds = array<i64: 1280, 128>}]} {
    %get3A = arith.constant 0 : index
    %get3A_0 = arith.constant 0 : index
    %get3A_1 = vector.load %arg3[%get3A, %get3A_0] : memref<1280x16xf32, #tpu.memory_space<vmem>>, vector<1280x16xf32>
    %get3A_2 = arith.constant 0 : index
    %get3A_3 = arith.constant 0 : index
    %get3A_4 = vector.load %arg4[%get3A_2, %get3A_3] : memref<1280x16xf32, #tpu.memory_space<vmem>>, vector<1280x16xf32>
    %slice3A = vector.extract_strided_slice %get3A_1 {offsets = [0, 0], sizes = [1280, 1], strides = [1, 1]} : vector<1280x16xf32> to vector<1280x1xf32>
    %slice3A_5 = vector.extract_strided_slice %get3A_4 {offsets = [0, 0], sizes = [1280, 1], strides = [1, 1]} : vector<1280x16xf32> to vector<1280x1xf32>
    %add3A = arith.addf %slice3A, %slice3A_5 : vector<1280x1xf32>
    %add3A_6 = arith.constant 1.000000e+00 : f32
    %add3A_7 = vector.broadcast %add3A_6 : f32 to vector<1280x1xf32>
    %add3A_8 = arith.addf %add3A, %add3A_7 : vector<1280x1xf32>
    %rsqrt3A = math.rsqrt %add3A_8 : vector<1280x1xf32>
    %get3A_9 = arith.constant 0 : index
    %get3A_10 = arith.constant 0 : index
    %get3A_11 = vector.load %arg1[%get3A_9, %get3A_10] : memref<1280x128xf32, #tpu.memory_space<vmem>>, vector<1280x128xf32>
    %get3A_12 = arith.constant 0 : index
    %get3A_13 = arith.constant 0 : index
    %get3A_14 = vector.load %arg2[%get3A_12, %get3A_13] : memref<128x128xf32, #tpu.memory_space<vmem>>, vector<128x128xf32>
    %dot_general3A = arith.constant dense<0.000000e+00> : vector<1280x128xf32>
    %dot_general3A_15 = tpu.matmul %get3A_11, %get3A_14, %dot_general3A {dimension_numbers = #tpu.dot_dimension_numbers<[1], [0], [0], [1], [0, 0, 1, 1], [], []>, transpose_lhs_hint = false} : vector<1280x128xf32>, vector<128x128xf32>, vector<1280x128xf32> -> vector<1280x128xf32>
    %mul3A = vector.broadcast %rsqrt3A : vector<1280x1xf32> to vector<1280x128xf32>
    %mul3A_16 = arith.mulf %dot_general3A_15, %mul3A : vector<1280x128xf32>
    %swap3A = arith.constant 0 : index
    %swap3A_17 = arith.constant 0 : index
    %swap3A_18 = vector.load %arg5[%swap3A, %swap3A_17] : memref<1280x128xf32, #tpu.memory_space<vmem>>, vector<1280x128xf32>
    tpu.vector_store %arg5[%swap3A, %swap3A_17], %mul3A_16 {strides = array<i32>} : memref<1280x128xf32, #tpu.memory_space<vmem>>, vector<1280x128xf32>,
    return
  }
  func.func @transform_0(%arg0: i32) -> (i32, i32) {
    %c0_i32 = arith.constant 0 : i32
    %c0_i32_0 = arith.constant 0 : i32
    return %arg0, %c0_i32 : i32, i32
  }
  func.func @transform_1(%arg0: i32) -> (i32, i32) {
    %c0_i32 = arith.constant 0 : i32
    %c0_i32_0 = arith.constant 0 : i32
    %c0_i32_1 = arith.constant 0 : i32
    return %c0_i32, %c0_i32_0 : i32, i32
  }
  func.func @transform_2(%arg0: i32) -> (i32, i32) {
    %c0_i32 = arith.constant 0 : i32
    %c0_i32_0 = arith.constant 0 : i32
    return %arg0, %c0_i32 : i32, i32
  }
  func.func @transform_3(%arg0: i32) -> (i32, i32) {
    %c0_i32 = arith.constant 0 : i32
    %c0_i32_0 = arith.constant 0 : i32
    return %arg0, %c0_i32 : i32, i32
  }
  func.func @transform_4(%arg0: i32) -> (i32, i32) {
    %c0_i32 = arith.constant 0 : i32
    %c0_i32_0 = arith.constant 0 : i32
    return %arg0, %c0_i32 : i32, i32
  }
}

module attributes {stable_mosaic.version = 14 : i64} {
  func.func @_tc2_body(%arg0: i32, %arg1: memref<1280x128xf32, #tpu.memory_space<vmem>>, %arg2: memref<1280x128xf32, #tpu.memory_space<vmem>>, %arg3: memref<1280x128xf32, #tpu.memory_space<vmem>>, %arg4: memref<1280x16xf32, #tpu.memory_space<vmem>>, %arg5: memref<1280x16xf32, #tpu.memory_space<vmem>>, %arg6: memref<128x128xf32, #tpu.memory_space<vmem>>, %arg7: memref<1x128xf32, #tpu.memory_space<vmem>>, %arg8: memref<1280x128xf32, #tpu.memory_space<vmem>>) attributes {dimension_semantics = [#tpu.dimension_semantics<arbitrary>], iteration_bounds = array<i64: 8>, scalar_prefetch = 0 : i64, scratch_operands = 0 : i64, tpu.core_type = #tpu.core_type<tc>, window_params = [{transform_indices = @transform_0, window_bounds = array<i64: 1280, 128>}, {transform_indices = @transform_1, window_bounds = array<i64: 1280, 128>}, {transform_indices = @transform_2, window_bounds = array<i64: 1280, 128>}, {transform_indices = @transform_3, window_bounds = array<i64: 1280, 16>}, {transform_indices = @transform_4, window_bounds = array<i64: 1280, 16>}, {pipeline_mode = #tpu.pipeline_mode<synchronous>, transform_indices = @transform_5, window_bounds = array<i64: 128, 128>}, {pipeline_mode = #tpu.pipeline_mode<synchronous>, transform_indices = @transform_6, window_bounds = array<i64: 1, 128>}, {transform_indices = @transform_7, window_bounds = array<i64: 1280, 128>}]} {
    %get3A = arith.constant 0 : index
    %get3A_0 = arith.constant 0 : index
    %get3A_1 = vector.load %arg4[%get3A, %get3A_0] : memref<1280x16xf32, #tpu.memory_space<vmem>>, vector<1280x16xf32>
    %get3A_2 = arith.constant 0 : index
    %get3A_3 = arith.constant 0 : index
    %get3A_4 = vector.load %arg5[%get3A_2, %get3A_3] : memref<1280x16xf32, #tpu.memory_space<vmem>>, vector<1280x16xf32>
    %slice3A = vector.extract_strided_slice %get3A_1 {offsets = [0, 0], sizes = [1280, 1], strides = [1, 1]} : vector<1280x16xf32> to vector<1280x1xf32>
    %slice3A_5 = vector.extract_strided_slice %get3A_4 {offsets = [0, 0], sizes = [1280, 1], strides = [1, 1]} : vector<1280x16xf32> to vector<1280x1xf32>
    %add3A = arith.addf %slice3A, %slice3A_5 : vector<1280x1xf32>
    %add3A_6 = arith.constant 1.000000e+00 : f32
    %add3A_7 = vector.broadcast %add3A_6 : f32 to vector<1280x1xf32>
    %add3A_8 = arith.addf %add3A, %add3A_7 : vector<1280x1xf32>
    %rsqrt3A = math.rsqrt %add3A_8 : vector<1280x1xf32>
    %get3A_9 = arith.constant 0 : index
    %get3A_10 = arith.constant 0 : index
    %get3A_11 = vector.load %arg1[%get3A_9, %get3A_10] : memref<1280x128xf32, #tpu.memory_space<vmem>>, vector<1280x128xf32>
    %get3A_12 = arith.constant 0 : index
    %get3A_13 = arith.constant 0 : index
    %get3A_14 = vector.load %arg2[%get3A_12, %get3A_13] : memref<1280x128xf32, #tpu.memory_space<vmem>>, vector<1280x128xf32>
    %add3A_15 = arith.addf %get3A_11, %get3A_14 : vector<1280x128xf32>
    %get3A_16 = arith.constant 0 : index
    %get3A_17 = arith.constant 0 : index
    %get3A_18 = vector.load %arg3[%get3A_16, %get3A_17] : memref<1280x128xf32, #tpu.memory_space<vmem>>, vector<1280x128xf32>
    %add3A_19 = arith.addf %add3A_15, %get3A_18 : vector<1280x128xf32>
    %mul3A = vector.broadcast %rsqrt3A : vector<1280x1xf32> to vector<1280x128xf32>
    %mul3A_20 = arith.mulf %mul3A, %add3A_19 : vector<1280x128xf32>
    %get3A_21 = arith.constant 0 : index
    %get3A_22 = arith.constant 0 : index
    %get3A_23 = vector.load %arg7[%get3A_21, %get3A_22] : memref<1x128xf32, #tpu.memory_space<vmem>>, vector<1x128xf32>
    %add3A_24 = vector.broadcast %get3A_23 : vector<1x128xf32> to vector<1280x128xf32>
    %add3A_25 = arith.addf %mul3A_20, %add3A_24 : vector<1280x128xf32>
    %max3A = arith.constant 0.000000e+00 : f32
    %max3A_26 = vector.broadcast %max3A : f32 to vector<1280x128xf32>
    %max3A_27 = arith.maximumf %add3A_25, %max3A_26 : vector<1280x128xf32>
    %get3A_28 = arith.constant 0 : index
    %get3A_29 = arith.constant 0 : index
    %get3A_30 = vector.load %arg6[%get3A_28, %get3A_29] : memref<128x128xf32, #tpu.memory_space<vmem>>, vector<128x128xf32>
    %dot_general3A = arith.constant dense<0.000000e+00> : vector<1280x128xf32>
    %dot_general3A_31 = tpu.matmul %max3A_27, %get3A_30, %dot_general3A {dimension_numbers = #tpu.dot_dimension_numbers<[1], [0], [0], [1], [0, 0, 1, 1], [], []>, transpose_lhs_hint = false} : vector<1280x128xf32>, vector<128x128xf32>, vector<1280x128xf32> -> vector<1280x128xf32>
    %mul3A_32 = vector.broadcast %rsqrt3A : vector<1280x1xf32> to vector<1280x128xf32>
    %mul3A_33 = arith.mulf %mul3A_32, %dot_general3A_31 : vector<1280x128xf32>
    %swap3A = arith.constant 0 : index
    %swap3A_34 = arith.constant 0 : index
    %swap3A_35 = vector.load %arg8[%swap3A, %swap3A_34] : memref<1280x128xf32, #tpu.memory_space<vmem>>, vector<1280x128xf32>
    tpu.vector_store %arg8[%swap3A, %swap3A_34], %mul3A_33 {strides = array<i32>} : memref<1280x128xf32, #tpu.memory_space<vmem>>, vector<1280x128xf32>,
    return
  }
  func.func @transform_0(%arg0: i32) -> (i32, i32) {
    %c0_i32 = arith.constant 0 : i32
    %c0_i32_0 = arith.constant 0 : i32
    return %arg0, %c0_i32 : i32, i32
  }
  func.func @transform_1(%arg0: i32) -> (i32, i32) {
    %c0_i32 = arith.constant 0 : i32
    %c0_i32_0 = arith.constant 0 : i32
    return %arg0, %c0_i32 : i32, i32
  }
  func.func @transform_2(%arg0: i32) -> (i32, i32) {
    %c0_i32 = arith.constant 0 : i32
    %c0_i32_0 = arith.constant 0 : i32
    return %arg0, %c0_i32 : i32, i32
  }
  func.func @transform_3(%arg0: i32) -> (i32, i32) {
    %c0_i32 = arith.constant 0 : i32
    %c0_i32_0 = arith.constant 0 : i32
    return %arg0, %c0_i32 : i32, i32
  }
  func.func @transform_4(%arg0: i32) -> (i32, i32) {
    %c0_i32 = arith.constant 0 : i32
    %c0_i32_0 = arith.constant 0 : i32
    return %arg0, %c0_i32 : i32, i32
  }
  func.func @transform_5(%arg0: i32) -> (i32, i32) {
    %c0_i32 = arith.constant 0 : i32
    %c0_i32_0 = arith.constant 0 : i32
    %c0_i32_1 = arith.constant 0 : i32
    return %c0_i32, %c0_i32_0 : i32, i32
  }
  func.func @transform_6(%arg0: i32) -> (i32, i32) {
    %c0_i32 = arith.constant 0 : i32
    %c0_i32_0 = arith.constant 0 : i32
    %c0_i32_1 = arith.constant 0 : i32
    return %c0_i32, %c0_i32_0 : i32, i32
  }
  func.func @transform_7(%arg0: i32) -> (i32, i32) {
    %c0_i32 = arith.constant 0 : i32
    %c0_i32_0 = arith.constant 0 : i32
    return %arg0, %c0_i32 : i32, i32
  }
}

module attributes {stable_mosaic.version = 14 : i64} {
  func.func @_tc3_body(%arg0: i32, %arg1: memref<1280x128xf32, #tpu.memory_space<vmem>>, %arg2: memref<1280x128xf32, #tpu.memory_space<vmem>>, %arg3: memref<1280x128xf32, #tpu.memory_space<vmem>>, %arg4: memref<1280x16xf32, #tpu.memory_space<vmem>>, %arg5: memref<1280x16xf32, #tpu.memory_space<vmem>>, %arg6: memref<1x128xf32, #tpu.memory_space<vmem>>, %arg7: memref<1x128xf32, #tpu.memory_space<vmem>>, %arg8: memref<1x1xf32, #tpu.memory_space<vmem>>, %arg9: memref<1280x1xf32, #tpu.memory_space<vmem>>) attributes {dimension_semantics = [#tpu.dimension_semantics<arbitrary>], iteration_bounds = array<i64: 8>, scalar_prefetch = 0 : i64, scratch_operands = 0 : i64, tpu.core_type = #tpu.core_type<tc>, window_params = [{transform_indices = @transform_0, window_bounds = array<i64: 1280, 128>}, {transform_indices = @transform_1, window_bounds = array<i64: 1280, 128>}, {transform_indices = @transform_2, window_bounds = array<i64: 1280, 128>}, {transform_indices = @transform_3, window_bounds = array<i64: 1280, 16>}, {transform_indices = @transform_4, window_bounds = array<i64: 1280, 16>}, {pipeline_mode = #tpu.pipeline_mode<synchronous>, transform_indices = @transform_5, window_bounds = array<i64: 1, 128>}, {pipeline_mode = #tpu.pipeline_mode<synchronous>, transform_indices = @transform_6, window_bounds = array<i64: 1, 128>}, {pipeline_mode = #tpu.pipeline_mode<synchronous>, transform_indices = @transform_7, window_bounds = array<i64: 1, 1>}, {transform_indices = @transform_8, window_bounds = array<i64: 1280, 1>}]} {
    %get3A = arith.constant 0 : index
    %get3A_0 = arith.constant 0 : index
    %get3A_1 = vector.load %arg4[%get3A, %get3A_0] : memref<1280x16xf32, #tpu.memory_space<vmem>>, vector<1280x16xf32>
    %get3A_2 = arith.constant 0 : index
    %get3A_3 = arith.constant 0 : index
    %get3A_4 = vector.load %arg5[%get3A_2, %get3A_3] : memref<1280x16xf32, #tpu.memory_space<vmem>>, vector<1280x16xf32>
    %slice3A = vector.extract_strided_slice %get3A_1 {offsets = [0, 0], sizes = [1280, 1], strides = [1, 1]} : vector<1280x16xf32> to vector<1280x1xf32>
    %slice3A_5 = vector.extract_strided_slice %get3A_4 {offsets = [0, 0], sizes = [1280, 1], strides = [1, 1]} : vector<1280x16xf32> to vector<1280x1xf32>
    %add3A = arith.addf %slice3A, %slice3A_5 : vector<1280x1xf32>
    %add3A_6 = arith.constant 1.000000e+00 : f32
    %add3A_7 = vector.broadcast %add3A_6 : f32 to vector<1280x1xf32>
    %add3A_8 = arith.addf %add3A, %add3A_7 : vector<1280x1xf32>
    %rsqrt3A = math.rsqrt %add3A_8 : vector<1280x1xf32>
    %get3A_9 = arith.constant 0 : index
    %get3A_10 = arith.constant 0 : index
    %get3A_11 = vector.load %arg1[%get3A_9, %get3A_10] : memref<1280x128xf32, #tpu.memory_space<vmem>>, vector<1280x128xf32>
    %get3A_12 = arith.constant 0 : index
    %get3A_13 = arith.constant 0 : index
    %get3A_14 = vector.load %arg2[%get3A_12, %get3A_13] : memref<1280x128xf32, #tpu.memory_space<vmem>>, vector<1280x128xf32>
    %add3A_15 = arith.addf %get3A_11, %get3A_14 : vector<1280x128xf32>
    %get3A_16 = arith.constant 0 : index
    %get3A_17 = arith.constant 0 : index
    %get3A_18 = vector.load %arg3[%get3A_16, %get3A_17] : memref<1280x128xf32, #tpu.memory_space<vmem>>, vector<1280x128xf32>
    %add3A_19 = arith.addf %add3A_15, %get3A_18 : vector<1280x128xf32>
    %mul3A = vector.broadcast %rsqrt3A : vector<1280x1xf32> to vector<1280x128xf32>
    %mul3A_20 = arith.mulf %mul3A, %add3A_19 : vector<1280x128xf32>
    %get3A_21 = arith.constant 0 : index
    %get3A_22 = arith.constant 0 : index
    %get3A_23 = vector.load %arg6[%get3A_21, %get3A_22] : memref<1x128xf32, #tpu.memory_space<vmem>>, vector<1x128xf32>
    %add3A_24 = vector.broadcast %get3A_23 : vector<1x128xf32> to vector<1280x128xf32>
    %add3A_25 = arith.addf %mul3A_20, %add3A_24 : vector<1280x128xf32>
    %max3A = arith.constant 0.000000e+00 : f32
    %max3A_26 = vector.broadcast %max3A : f32 to vector<1280x128xf32>
    %max3A_27 = arith.maximumf %add3A_25, %max3A_26 : vector<1280x128xf32>
    %get3A_28 = arith.constant 0 : index
    %get3A_29 = arith.constant 0 : index
    %get3A_30 = vector.load %arg7[%get3A_28, %get3A_29] : memref<1x128xf32, #tpu.memory_space<vmem>>, vector<1x128xf32>
    %mul3A_31 = vector.broadcast %get3A_30 : vector<1x128xf32> to vector<1280x128xf32>
    %mul3A_32 = arith.mulf %max3A_27, %mul3A_31 : vector<1280x128xf32>
    %reduce_sum3A = arith.constant dense<0.000000e+00> : vector<1280xf32>
    %reduce_sum3A_33 = vector.multi_reduction <add>, %mul3A_32, %reduce_sum3A [1] : vector<1280x128xf32> to vector<1280xf32>
    %broadcast_in_dim3A = vector.shape_cast %reduce_sum3A_33 : vector<1280xf32> to vector<1280x1xf32>
    %get3A_34 = arith.constant 0 : index
    %get3A_35 = arith.constant 0 : index
    %get3A_36 = vector.load %arg8[%get3A_34, %get3A_35] : memref<1x1xf32, #tpu.memory_space<vmem>>, vector<1x1xf32>
    %get3A_37 = vector.extract %get3A_36[0, 0] : f32 from vector<1x1xf32>
    %add3A_38 = vector.broadcast %get3A_37 : f32 to vector<1280x1xf32>
    %add3A_39 = arith.addf %broadcast_in_dim3A, %add3A_38 : vector<1280x1xf32>
    %swap3A = arith.constant 0 : index
    %swap3A_40 = arith.constant 0 : index
    %swap3A_41 = vector.load %arg9[%swap3A, %swap3A_40] : memref<1280x1xf32, #tpu.memory_space<vmem>>, vector<1280x1xf32>
    tpu.vector_store %arg9[%swap3A, %swap3A_40], %add3A_39 {strides = array<i32>} : memref<1280x1xf32, #tpu.memory_space<vmem>>, vector<1280x1xf32>,
    return
  }
  func.func @transform_0(%arg0: i32) -> (i32, i32) {
    %c0_i32 = arith.constant 0 : i32
    %c0_i32_0 = arith.constant 0 : i32
    return %arg0, %c0_i32 : i32, i32
  }
  func.func @transform_1(%arg0: i32) -> (i32, i32) {
    %c0_i32 = arith.constant 0 : i32
    %c0_i32_0 = arith.constant 0 : i32
    return %arg0, %c0_i32 : i32, i32
  }
  func.func @transform_2(%arg0: i32) -> (i32, i32) {
    %c0_i32 = arith.constant 0 : i32
    %c0_i32_0 = arith.constant 0 : i32
    return %arg0, %c0_i32 : i32, i32
  }
  func.func @transform_3(%arg0: i32) -> (i32, i32) {
    %c0_i32 = arith.constant 0 : i32
    %c0_i32_0 = arith.constant 0 : i32
    return %arg0, %c0_i32 : i32, i32
  }
  func.func @transform_4(%arg0: i32) -> (i32, i32) {
    %c0_i32 = arith.constant 0 : i32
    %c0_i32_0 = arith.constant 0 : i32
    return %arg0, %c0_i32 : i32, i32
  }
  func.func @transform_5(%arg0: i32) -> (i32, i32) {
    %c0_i32 = arith.constant 0 : i32
    %c0_i32_0 = arith.constant 0 : i32
    %c0_i32_1 = arith.constant 0 : i32
    return %c0_i32, %c0_i32_0 : i32, i32
  }
  func.func @transform_6(%arg0: i32) -> (i32, i32) {
    %c0_i32 = arith.constant 0 : i32
    %c0_i32_0 = arith.constant 0 : i32
    %c0_i32_1 = arith.constant 0 : i32
    return %c0_i32, %c0_i32_0 : i32, i32
  }
  func.func @transform_7(%arg0: i32) -> (i32, i32) {
    %c0_i32 = arith.constant 0 : i32
    %c0_i32_0 = arith.constant 0 : i32
    %c0_i32_1 = arith.constant 0 : i32
    return %c0_i32, %c0_i32_0 : i32, i32
  }
  func.func @transform_8(%arg0: i32) -> (i32, i32) {
    %c0_i32 = arith.constant 0 : i32
    %c0_i32_0 = arith.constant 0 : i32
    return %arg0, %c0_i32 : i32, i32
  }
}

</mosaic_0001>

<sc_bundles>
// kernel: kernel.11.cloned.1.call-start
scs
__scs_entry_jumppad:
0x0: {  	(pc) =	sbr.rel $0x88, $3  }
0x1: {  	(tag) =	ssettag $0x0;
	lr =	simm.s32 $0x1  }
0x2: {  	[smem:$0x3F99] =	sst lr;
	_ =	strace $0xD0000000  }
0x3: {  	_ = 	snop  }
0x4: {  	_ = 	snop  }
0x5: {  	_ = 	snop  }
0x6: {  	_ = 	snop  }
0x7: {  	_ = 	snop  }
__scs_overlays_trampoline_lowered:
0x8: {  	[smem:$0x3FA8] =	sst s0  }
0x9: {  	[smem:$0x3FA9] =	sst s1  }
0xa: {  	[smem:$0x3FAA] =	sst s2  }
0xb: {  	[smem:$0x3FAB] =	sst s3  }
0xc: {  	[smem:$0x3FAC] =	sst s4  }
0xd: {  	[smem:$0x3FAD] =	sst s5  }
0xe: {  	[smem:$0x3FAE] =	sst s6  }
0xf: {  	[smem:$0x3FAF] =	sst s7  }
0x10: {  	[smem:$0x3FB0] =	sst s8  }
0x11: {  	[smem:$0x3FB1] =	sst s9;
	s0 =	simm.s32 @!p0 $0x0  }
0x12: {  	s1 =	sld [smem:$0x3F97];
	s0 =	simm.s32 @p0 $0x1  }
0x13: {  	[smem:$0x3FB2] =	sst s0;
	s0 =	simm.s32 @!p1 $0x0  }
0x14: {  	s2 =	sld [smem:$0x3F96];
	s0 =	simm.s32 @p1 $0x1  }
0x15: {  	[smem:$0x3FB3] =	sst s0;
	s0 =	simm.s32 @!p2 $0x0  }
0x16: {  	s3 =	sld [smem:$0x3FDB];
	s0 =	simm.s32 @p2 $0x1  }
0x17: {  	s4 =	simm.s32 $0x1BF5;
	[smem:$0x3FB5] =	sst s0  }
0x18: {  	s0 =	sld [smem:$0x3F98];
	_ =	swait.ge [sflag:s4], $0x0  }
0x19: {  	s7 =	sld [smem:$0x3F99]  }
0x1a: {  	s8 =	sadd.s32 $0xFFFFE003, lr  }
0x1b: {  	s9 =	sadd.s32 $0xFFFFFEF7, lr;
	s5 =	simm.s32 $0xFFFFFFFF;
	p2 =	slt.u32 s8, $0xFFFFF086  }
0x1c: {  	p1 =	slt.u32 s9, $0xF7A;
	s5 =	simm.s32 @!p2 $0x0  }
0x1d: {  	s5 =	simm.s32 @p1 $0x1;
	p0 =	seq.s32 s7, s2  }
0x1e: {  	s7 =	smul.u32 @!p0 $0xF7A, s2;
	p2 =	seq.s32 @!p0 s5, $0x0  }
0x1f: {  	s9 =	smul.u32 $0xF7A, s1;
	s8 =	simm.s32 @!p0 $0x1BF5;
	p2 =	por !p2, p0  }
0x20: {  	[sflag:s8] =	ssyncset.s32 @!p0 $0xFFFFF086;
	s6 =	sadd.s32 @!p0 s3, s7;
	s7 =	simm.s32 @!p0 $0x108  }
0x21: {  	s3 =	sadd.s32 s3, s9;
	s6 =	sadd.s32 @!p0 $0x88, s6;
	s7 =	simm.s32 @p2 $0x1082  }
0x22: {  	[simem:s7], [sflag:s8] =	dma.local @!p0 [hbm:s6], $0xF7A  }
0x23: {  	s9 =	sor.u32 $0xD0000000, s2;
	s6 =	simm.s32 $0x108;
	_ =	swait.ge @!p0 [sflag:s8], $0x0  }
0x24: {  	s3 =	sadd.s32 $0x88, s3;
	s6 =	simm.s32 @!p1 $0x1082;
	[sflag:s4] =	ssyncset.s32 $0xFFFFF086  }
0x25: {  	[simem:s6], [sflag:s4] =	dma.local [hbm:s3], $0xF7A  }
0x26: {  	[smem:$0x3F99] =	sst s1;
	(tag) =	ssettag s2;
	_ =	strace s9  }
0x27: {  	s1 =	sld [smem:$0x3FA9]  }
0x28: {  	s2 =	sld [smem:$0x3FAA]  }
0x29: {  	s4 =	sld [smem:$0x3FAC]  }
0x2a: {  	p0 =	seq.s32 s5, $0x0;
	s5 =	sld [smem:$0x3FAD]  }
0x2b: {  	s6 =	sld [smem:$0x3FAE]  }
0x2c: {  	s7 =	sld [smem:$0x3FAF]  }
0x2d: {  	s3 =	simm.s32 $0x108;
	s8 =	sld [smem:$0x3FB0]  }
0x2e: {  	s3 =	simm.s32 @!p0 $0x1082;
	s9 =	sld [smem:$0x3FB1]  }
0x2f: {  	lr =	sadd.s32 s0, s3;
	s0 =	sld [smem:$0x3FA8]  }
0x30: {  	s3 =	sld [smem:$0x3FAB]  }
0x31: {  	[smem:$0x3FB4] =	sst s10  }
0x32: {  	s10 =	sld [smem:$0x3FB2];
	_ =	sdelay $0x3  }
0x33: {  	p0 =	seq.s32 s10, $0x1;
	s10 =	sld [smem:$0x3FB4];
	_ =	sdelay $0x3  }
0x34: {  	[smem:$0x3FB4] =	sst s10  }
0x35: {  	s10 =	sld [smem:$0x3FB3];
	_ =	sdelay $0x3  }
0x36: {  	p1 =	seq.s32 s10, $0x1;
	s10 =	sld [smem:$0x3FB4];
	_ =	sdelay $0x3  }
0x37: {  	[smem:$0x3FB4] =	sst s10  }
0x38: {  	s10 =	sld [smem:$0x3FB5]  }
0x39: {  	_ = 	snop;
	(pc) =	sbr.ind lr, $3  }
0x3a: {  	_ = 	snop  }
0x3b: {  	_ = 	snop  }
0x3c: {  	p2 =	seq.s32 s10, $0x1;
	s10 =	sld [smem:$0x3FB4]  }
0x3d: {  	_ =	shalt  }
0x3e: {  	_ =	shalt  }
0x3f: {  	_ =	shalt  }
0x40: {  	_ =	shalt  }
0x41: {  	_ =	shalt  }
0x42: {  	_ =	shalt  }
0x43: {  	_ =	shalt  }
0x44: {  	_ =	shalt  }
0x45: {  	_ =	shalt  }
0x46: {  	_ =	shalt  }
0x47: {  	_ =	shalt  }
0x48: {  	_ =	shalt  }
0x49: {  	_ =	shalt  }
0x4a: {  	_ =	shalt  }
0x4b: {  	_ =	shalt  }
0x4c: {  	_ =	shalt  }
0x4d: {  	_ =	shalt  }
0x4e: {  	_ =	shalt  }
0x4f: {  	_ =	shalt  }
0x50: {  	_ =	shalt  }
0x51: {  	_ =	shalt  }
0x52: {  	_ =	shalt  }
0x53: {  	_ =	shalt  }
0x54: {  	_ =	shalt  }
0x55: {  	_ =	shalt  }
0x56: {  	_ =	shalt  }
0x57: {  	_ =	shalt  }
0x58: {  	_ =	shalt  }
0x59: {  	_ =	shalt  }
0x5a: {  	_ =	shalt  }
0x5b: {  	_ =	shalt  }
0x5c: {  	_ =	shalt  }
0x5d: {  	_ =	shalt  }
0x5e: {  	_ =	shalt  }
0x5f: {  	_ =	shalt  }
0x60: {  	_ =	shalt  }
0x61: {  	_ =	shalt  }
0x62: {  	_ =	shalt  }
0x63: {  	_ =	shalt  }
0x64: {  	_ =	shalt  }
0x65: {  	_ =	shalt  }
0x66: {  	_ =	shalt  }
0x67: {  	_ =	shalt  }
0x68: {  	_ =	shalt  }
0x69: {  	_ =	shalt  }
0x6a: {  	_ =	shalt  }
0x6b: {  	_ =	shalt  }
0x6c: {  	_ =	shalt  }
0x6d: {  	_ =	shalt  }
0x6e: {  	_ =	shalt  }
0x6f: {  	_ =	shalt  }
0x70: {  	_ =	shalt  }
0x71: {  	_ =	shalt  }
0x72: {  	_ =	shalt  }
0x73: {  	_ =	shalt  }
0x74: {  	_ =	shalt  }
0x75: {  	_ =	shalt  }
0x76: {  	_ =	shalt  }
0x77: {  	_ =	shalt  }
0x78: {  	_ =	shalt  }
0x79: {  	_ =	shalt  }
0x7a: {  	_ =	shalt  }
0x7b: {  	_ =	shalt  }
0x7c: {  	_ =	shalt  }
0x7d: {  	_ =	shalt  }
0x7e: {  	_ =	shalt  }
0x7f: {  	_ =	shalt  }
0x80: {  	_ =	shalt  }
0x81: {  	_ =	shalt  }
0x82: {  	_ =	shalt  }
0x83: {  	_ =	shalt  }
0x84: {  	_ =	shalt  }
0x85: {  	_ =	shalt  }
0x86: {  	_ =	shalt  }
0x87: {  	_ =	shalt  }
.Lfunc_end0:
.L_simem_size_0:
called_computation.1_lowered:
.L_overlay_start_0:
0x88: {  	s2 =	sld [smem:$0x3FD9]  }
0x89: {  	s3 =	sld [smem:$0x3FFE];
	_ =	sdelay $0x1  }
0x8a: {  	s1 =	srdreg.scid  }
0x8b: {  	s0 =	sand.u32 $0x1, s1  }
0x8c: {  	s16 =	sshll.u32 s0, $0xA;
	s2 =	sadd.s32 s3, s2  }
0x8d: {  	s2 =	sadd.s32 s2, s16  }
0x8e: {  	[smem:$0x3FC0] =	sst s2  }
0x8f: {  	_ = 	snop  }
0x90: {  	(tm) =	ssettm $0x1  }
0x91: {  	s17 =	sld [smem:$0x3FFB];
	_ =	sdelay $0x3  }
0x92: {  	_ =	strace s17  }
0x93: {  	s2 =	sld [smem:$0x3FFC];
	_ =	sdelay $0x3  }
0x94: {  	_ =	strace s2  }
0x95: {  	s2 =	sld [smem:$0x3FFD];
	_ =	sdelay $0x3  }
0x96: {  	_ =	strace s2  }
0x97: {  	_ =	strace $0x8FFFFFFF  }
0x98: {  	s18 =	sld [smem:$0x3FDB];
	_ =	sdelay $0x1  }
0x99: {  	s19 =	simm.s32 $_scs_section_size  }
0x9a: {  	s4 =	simm.s32 $_size__tile_overlayer_lowered;
	s5 =	simm.s32 $_tile_overlayer_lowered  }
0x9b: {  	s22 =	simm.s32 $0x1BFF;
	s21 =	sshll.u32 s5, $0x1;
	s2 =	sadd.s32 s19, s18  }
0x9c: {  	s6 =	simm.s32 $0x0;
	s20 =	sshll.u32 s4, $0x1;
	s4 =	sadd.s32 s21, s2  }
0x9d: {  	[timem:s6], [sflag:s22] =	dma.local [hbm:s4], s20  }
0x9e: {  	_ =	swait.ge [sflag:s22], s20  }
0x9f: {  	s3 =	ssub.s32 $0x0, s20;
	[sflag:s22] =	ssyncset.done $0x0  }
0xa0: {  	[sflag:s22] =	ssyncadd.s32 s3;
	_ =	sdelay $0x1  }
0xa1: {  	s23 =	simm.s32 $0x1B8B  }
0xa2: {  	_ =	swait.ge [sflag:s23], $0x1  }
0xa3: {  	[sflag:s23] =	ssyncset.done $0x0  }
0xa4: {  	s25 =	simm.s32 $0x1B8E;
	s24 =	sld [smem:$0x3FFE];
	[sflag:s23] =	ssyncadd.s32 $0xFFFFFFFF  }
0xa5: {  	s26 =	simm.s32 $execute0_lowered;
	[smem:$0x3FD2] =	sst s25  }
0xa6: {  	s4 =	sshll.u32 s26, $0x1;
	_ =	strace $0x80000049;
	[dreg:$0x1] =	wrdreg $0xFFFFFFFF  }
0xa7: {  	s28 =	simm.s32 $_size_execute0_lowered;
	s2 =	sadd.s32 s2, s4;
	[dreg:$0x0] =	wrdreg $0x0  }
0xa8: {  	s4 =	sshll.u32 s28, $0x1;
	[dreg:$0x2] =	wrdreg s2  }
0xa9: {  	[dreg:$0x3] =	wrdreg s4  }
0xaa: {  	[dreg:$0x4] =	wrdreg $0xC0  }
0xab: {  	_ =	task [dreg:s6], $0x5FFFF  }
0xac: {  	[dreg:$0x1] =	wrdreg $0xFFFFFFFF  }
0xad: {  	[dreg:$0x0] =	wrdreg $0x60  }
0xae: {  	[dreg:$0x2] =	wrdreg s24  }
0xaf: {  	[dreg:$0x3] =	wrdreg $0x90000  }
0xb0: {  	[dreg:$0x4] =	wrdreg $0x9  }
0xb1: {  	_ =	task.clear_ibuf [dreg:s6], $0x5FFFF;
	_ =	strace $0x90000049  }
0xb2: {  	s29 =	simm.s32 $0x9;
	_ =	strace $0x8000004B  }
0xb3: {  	_ =	swait.ge [sflag:s29], $0x1  }
0xb4: {  	[sflag:s29] =	ssyncadd.s32 $0xFFFFFFFF  }
0xb5: {  	_ =	strace $0x9000004B  }
0xb6: {  	_ =	sfence  }
0xb7: {  	s30 =	sld [smem:$0x0];
	_ =	sdelay $0x2  }
0xb8: {  	s31 =	sshll.u32 s1, $0xD;
	s1 =	sshrl.u32 s1, $0x2  }
0xb9: {  	s3 =	sand.u32 $0x4000, s31;
	s1 =	sadd.s32 s1, s30  }
0xba: {  	s0 =	sor.u32 s3, s0;
	s1 =	sshll.u32 s1, $0x11  }
0xbb: {  	s0 =	sor.u32 s1, s0  }
0xbc: {  	s0 =	sadd.s32 $0x8F2B, s0  }
0xbd: {  	[sflag:s0] =	ssyncadd.remote.s32 $0x1  }
0xbe: {  	_ =	sfence.sel $0xFFFF  }
0xbf: {  	[dreg:$0x0] =	wrdreg $0xFFFFFFFF;
	(pc) =	sbr.abs _section_cstart, $3  }
0xc0: {  	[dreg:$0x1] =	wrdreg $0xFFFFFFFF  }
0xc1: {  	_ =	task.clear_ibuf [dreg:s6], $0x2FFFF;
	_ =	strace $0x9FFFFFFF  }
0xc2: {  	(tm) =	ssettm $0x7FFFFFFF  }
0xc3: {  	_ =	shalt  }
tec
execute0_lowered:
.L_overlay_start_1:
0x0: {  	(tag) =	ssettag $0x1  }
0x1: {  	s5 =	rddreg [dreg:$0x0]  }
0x2: {  	s1 =	rddreg [dreg:$0x1];
	s2 =	srdreg.scid  }
0x3: {  	s0 =	rddreg [dreg:$0x2];
	s3 =	simm.s32 $0x0;
	s21 =	simm.s32 $0x80  }
0x4: {  	s22 =	simm.s32 $0x0;
	s8 =	sand.u32 $0x1, s2;
	s2 =	stileid.u32  }
0x5: {  	[smem:$0x7FF] =	sst s3;
	s16 =	sadd.s32 $0x8EE00, s5;
	s9 =	smul.u32 $0x50000, s2  }
0x6: {  	s4 =	sshll.u32 s8, $0x4;
	_ =	strace $0x8000004A;
	s11 =	smul.u32 $0x14000, s2  }
0x7: {  	s7 =	ssub.s32 $0x2, s8;
	s15 =	smul.u32 $0x140000, s8;
	s4 =	sor.u32 s2, s4  }
0x8: {  	s30 =	sshrl.u32 s7, $0x1;
	s6 =	smul.u32 $0x500, s4;
	s4 =	sadd.s32 $0x66E00, s5  }
0x9: {  	s17 =	ssub.s32 s7, s30;
	s31 =	sshrl.u32 s9, $0x2;
	s12 =	sadd.s32 $0x4000, s11  }
0xa: {  	s14 =	sadd.s32 $0x8000, s11;
	s18 =	sadd.s32 $0xC000, s11;
	s13 =	sadd.s32 s11, s15  }
0xb: {  	s19 =	sadd.s32 $0x10000, s11;
	s7 =	sadd.s32 s31, s1;
	s8 =	sadd.s32 s12, s1  }
0xc: {  	s9 =	sadd.s32 s14, s1;
	s10 =	sadd.s32 s18, s1;
	s12 =	sadd.s32 s15, s12  }
0xd: {  	s13 =	sshrl.u32 s13, $0x3;
	s11 =	sadd.s32 s19, s1;
	s14 =	sadd.s32 s15, s14  }
0xe: {  	s18 =	sadd.s32 s15, s18;
	s15 =	sadd.s32 s15, s19;
	s17 =	smax.u32 s17, $0x1  }
0xf: {  	s6 =	sadd.s32 s6, s5;
	s20 =	sshrl.u32 s12, $0x3;
	s12 =	sadd.s32 s16, s13  }
0x10: {  	s14 =	sshrl.u32 s14, $0x3;
	s18 =	sshrl.u32 s18, $0x3;
	s19 =	sshrl.u32 s15, $0x3  }
0x11: {  	s5 =	sadd.s32 $0x5CE00, s6;
	s6 =	sadd.s32 $0x2E00, s6;
	s13 =	sadd.s32 s16, s20  }
0x12: {  	s14 =	sadd.s32 s16, s14;
	s15 =	sadd.s32 s16, s18;
	s16 =	sadd.s32 s16, s19  }
0x13: {  	v0 =	vimm.f32 $0.0e+00;
	s18 =	simm.s32 $0x1;
	s19 =	simm.s32 $0x2800;
	s20 =	simm.s32 $0x5000  }
.LBB2_1:
0x14: {  	[tilespmem:s3], [sflag:$0x1] =	stream.linear.gather [hbm4b:s5+s3], $0x2780, $0x38;
	[tilespmem:$0x1D000] =	vst v63  }
0x15: {  	_ =	swait.ge [sflag:s18], $0x2780  }
0x16: {  	[sflag:s18] =	ssyncset.done $0x0  }
0x17: {  	[sflag:s18] =	ssyncadd.s32 $0xFFFFD880  }
0x18: {  	[tilespmem:s19], [sflag:$0x1] =	stream.linear.gather [hbm4b:s6+s3], $0x2780, $0x38;
	[tilespmem:$0x1D000] =	vst v63  }
0x19: {  	_ =	swait.ge [sflag:s18], $0x2780  }
0x1a: {  	[sflag:s18] =	ssyncset.done $0x0  }
0x1b: {  	s23 =	simm.s32 $0x0;
	s24 =	simm.s32 $0x200;
	[sflag:s18] =	ssyncadd.s32 $0xFFFFD880  }
.LBB2_2:
0x1c: {  	p0 =	sne.s32 s24, $0xFE00;
	[tilespmem:s23+$0x5070] =	vst v0  }
0x1d: {  	[tilespmem:s23+$0x5000] =	vst v0  }
0x1e: {  	[tilespmem:s23+$0x5010] =	vst v0  }
.Ltmp0:
0x1f: {  	[tilespmem:s23+$0x5020] =	vst v0;
	(pc) =	sbr.rel @p0 .LBB2_2-.Ltmp0, $4  }
0x20: {  	[tilespmem:s23+$0x5030] =	vst v0  }
0x21: {  	[tilespmem:s23+$0x5040] =	vst v0  }
0x22: {  	[tilespmem:s23+$0x5050] =	vst v0  }
0x23: {  	[tilespmem:s23+$0x5060] =	vst v0;
	s23 =	sshra.s32 s24, $0x2;
	s24 =	sadd.s32 $0x200, s24  }
0x24: {  	[tilespmem:s23+$0x5070] =	vst v0  }
0x25: {  	[tilespmem:s23+$0x5000] =	vst v0  }
0x26: {  	[tilespmem:s23+$0x5010] =	vst v0  }
0x27: {  	[tilespmem:s23+$0x5020] =	vst v0  }
0x28: {  	[tilespmem:s23+$0x5030] =	vst v0  }
0x29: {  	[tilespmem:s23+$0x5040] =	vst v0  }
0x2a: {  	[tilespmem:s23+$0x5050] =	vst v0  }
0x2b: {  	[tilespmem:s23+$0x5060] =	vst v0  }
0x2c: {  	[spmem:s7] =	stream.linear.scatter [tilespmem:s20], [sflag:$0x1], $0x4000, $0x38;
	[tilespmem:$0x1D000] =	vst v63  }
0x2d: {  	_ =	swait.ge [sflag:s18], $0x4000  }
0x2e: {  	[sflag:s18] =	ssyncset.done $0x0  }
0x2f: {  	[sflag:s18] =	ssyncadd.s32 $0xFFFFC000  }
0x30: {  	[spmem:s8] =	stream.linear.scatter [tilespmem:s20], [sflag:$0x1], $0x4000, $0x38;
	[tilespmem:$0x1D000] =	vst v63  }
0x31: {  	_ =	swait.ge [sflag:s18], $0x4000  }
0x32: {  	[sflag:s18] =	ssyncset.done $0x0  }
0x33: {  	[sflag:s18] =	ssyncadd.s32 $0xFFFFC000  }
0x34: {  	[spmem:s9] =	stream.linear.scatter [tilespmem:s20], [sflag:$0x1], $0x4000, $0x38;
	[tilespmem:$0x1D000] =	vst v63  }
0x35: {  	_ =	swait.ge [sflag:s18], $0x4000  }
0x36: {  	[sflag:s18] =	ssyncset.done $0x0  }
0x37: {  	[sflag:s18] =	ssyncadd.s32 $0xFFFFC000  }
0x38: {  	[spmem:s10] =	stream.linear.scatter [tilespmem:s20], [sflag:$0x1], $0x4000, $0x38;
	[tilespmem:$0x1D000] =	vst v63  }
0x39: {  	_ =	swait.ge [sflag:s18], $0x4000  }
0x3a: {  	[sflag:s18] =	ssyncset.done $0x0  }
0x3b: {  	[sflag:s18] =	ssyncadd.s32 $0xFFFFC000  }
0x3c: {  	[spmem:s11] =	stream.linear.scatter [tilespmem:s20], [sflag:$0x1], $0x4000, $0x38;
	[tilespmem:$0x1D000] =	vst v63  }
0x3d: {  	_ =	swait.ge [sflag:s18], $0x4000  }
0x3e: {  	[sflag:s18] =	ssyncset.done $0x0  }
0x3f: {  	[sflag:s18] =	ssyncadd.s32 $0xFFFFC000  }
0x40: {  	s30 =	simm.s32 $0x0;
	[bflag:$0x0] =	sbarrier.arrive $0xFFFF  }
0x41: {  	[tilespmem:s20], [sflag:$0x1] =	stream.indirect.gather [hbm4b:s4+s21], $0x80, s30, s21, $0xb8;
	[tilespmem:$0x1D000] =	vst v63  }
0x42: {  	_ =	swait.ge [sflag:s18], $0x4000  }
0x43: {  	[sflag:s18] =	ssyncset.done $0x0  }
0x44: {  	s31 =	simm.s32 $0x2800;
	[sflag:s18] =	ssyncadd.s32 $0xFFFFC000  }
0x45: {  	[spmem:s1] =	stream.indirect.scatter.add.f32 [tilespmem:s20], [sflag:$0x1], $0x80, s31, s21, $0xb8;
	[tilespmem:$0x1D000] =	vst v63  }
0x46: {  	_ =	swait.ge [sflag:s18], $0x4000  }
0x47: {  	s23 =	simm.s32 $0x200;
	s24 =	simm.s32 $0x400;
	[sflag:s18] =	ssyncset.done $0x0  }
.LBB2_4:
0x48: {  	s25 =	sshra.s32 s23, $0x2  }
0x49: {  	[sflag:s18] =	ssyncadd.s32 $0xFFFFC000;
	s23 =	smov.u32 s24;
	s26 =	sadd.s32 $0x200, s24  }
0x4a: {  	[tilespmem:s20], [sflag:$0x1] =	stream.indirect.gather [hbm4b:s4+s21], $0x80, s25, s21, $0xb8;
	[tilespmem:$0x1D000] =	vst v63  }
0x4b: {  	p0 =	sne.s32 s24, $0x9C00;
	_ =	swait.ge [sflag:s18], $0x4000  }
.Ltmp1:
0x4c: {  	[sflag:s18] =	ssyncset.done $0x0;
	(pc) =	sbr.rel @p0 .LBB2_4-.Ltmp1, $4  }
0x4d: {  	s24 =	sadd.s32 $0x2800, s25;
	[sflag:s18] =	ssyncadd.s32 $0xFFFFC000  }
0x4e: {  	[spmem:s1] =	stream.indirect.scatter.add.f32 [tilespmem:s20], [sflag:$0x1], $0x80, s24, s21, $0xb8;
	[tilespmem:$0x1D000] =	vst v63  }
0x4f: {  	_ =	swait.ge [sflag:s18], $0x4000  }
0x50: {  	s24 =	smov.u32 s26;
	[sflag:s18] =	ssyncset.done $0x0  }
0x51: {  	s23 =	sshra.s32 s23, $0x2;
	[sflag:s18] =	ssyncadd.s32 $0xFFFFC000  }
0x52: {  	[tilespmem:s20], [sflag:$0x1] =	stream.indirect.gather [hbm4b:s4+s21], $0x80, s23, s21, $0xb8;
	[tilespmem:$0x1D000] =	vst v63  }
0x53: {  	_ =	swait.ge [sflag:s18], $0x4000  }
0x54: {  	[sflag:s18] =	ssyncset.done $0x0  }
0x55: {  	s23 =	sadd.s32 $0x2800, s23;
	[sflag:s18] =	ssyncadd.s32 $0xFFFFC000  }
0x56: {  	[spmem:s1] =	stream.indirect.scatter.add.f32 [tilespmem:s20], [sflag:$0x1], $0x80, s23, s21, $0xb8;
	[tilespmem:$0x1D000] =	vst v63  }
0x57: {  	_ =	swait.ge [sflag:s18], $0x4000  }
0x58: {  	[sflag:s18] =	ssyncset.done $0x0  }
0x59: {  	s26 =	sshll.u32 s2, $0x6;
	[sflag:s18] =	ssyncadd.s32 $0xFFFFC000  }
0x5a: {  	s24 =	sshrl.u32 s7, $0x3;
	s23 =	sor.u32 $0x1C01, s26;
	[bflag:$0x0] =	sbarrier.arrive $0xFFFF  }
0x5b: {  	[hbm:s12], [sflag:s23] =	dma.local [spmem:s24], $0x800  }
0x5c: {  	_ =	swait.ge [sflag:s18], $0x800  }
0x5d: {  	[sflag:s18] =	ssyncset.done $0x0  }
0x5e: {  	s28 =	sshrl.u32 s8, $0x3;
	[sflag:s18] =	ssyncadd.s32 $0xFFFFF800  }
0x5f: {  	[hbm:s13], [sflag:s23] =	dma.local [spmem:s28], $0x800  }
0x60: {  	_ =	swait.ge [sflag:s18], $0x800  }
0x61: {  	[sflag:s18] =	ssyncset.done $0x0  }
0x62: {  	s29 =	sshrl.u32 s9, $0x3;
	[sflag:s18] =	ssyncadd.s32 $0xFFFFF800  }
0x63: {  	[hbm:s14], [sflag:s23] =	dma.local [spmem:s29], $0x800  }
0x64: {  	_ =	swait.ge [sflag:s18], $0x800  }
0x65: {  	[sflag:s18] =	ssyncset.done $0x0  }
0x66: {  	s30 =	sshrl.u32 s10, $0x3;
	[sflag:s18] =	ssyncadd.s32 $0xFFFFF800  }
0x67: {  	[hbm:s15], [sflag:s23] =	dma.local [spmem:s30], $0x800  }
0x68: {  	s22 =	sadd.s32 $0x1, s22;
	_ =	swait.ge [sflag:s18], $0x800  }
0x69: {  	p0 =	sne.s32 s22, s17;
	[sflag:s18] =	ssyncset.done $0x0  }
.Ltmp2:
0x6a: {  	s31 =	sshrl.u32 s11, $0x3;
	[sflag:s18] =	ssyncadd.s32 $0xFFFFF800;
	(pc) =	sbr.rel @p0 .LBB2_1-.Ltmp2, $4  }
0x6b: {  	[hbm:s16], [sflag:s23] =	dma.local [spmem:s31], $0x800  }
0x6c: {  	_ =	swait.ge [sflag:s18], $0x800  }
0x6d: {  	[sflag:s18] =	ssyncset.done $0x0  }
0x6e: {  	[sflag:s18] =	ssyncadd.s32 $0xFFFFF800  }
0x6f: {  	_ =	sfence.sel $0x180000  }
0x70: {  	[bflag:$0x0] =	sbarrier.arrive $0xFFFF  }
0x71: {  	p0 =	sne.s32 s2, $0x0;
	_ =	strace $0x9000004A  }
0x72: {  	s0 =	sadd.s32 @!p0 $0x100000, s0;
	[bflag:$0x2] =	sbarrier.arrive $0xFFFF  }
0x73: {  	[sflag:s0] =	ssyncadd.tile.s32 @!p0 $0x1;
	_ =	shalt  }
.Lfunc_end2:
_tile_overlayer_lowered:
.L_overlay_start_2:
0x74: {  	(tag) =	ssettag $0x2  }
0x75: {  	s0 =	rddreg [dreg:$0x0];
	s2 =	stileid.u32  }
0x76: {  	s1 =	rddreg [dreg:$0x1];
	p0 =	sne.s32 s2, $0x0  }
0x77: {  	s3 =	rddreg [dreg:$0x2];
	[bflag:$0x3] =	sbarrier.arrive $0xFFFF;
	s2 =	simm.s32 @!p0 $0x1C01  }
0x78: {  	[timem:s3], [sflag:s2] =	dma.local @!p0 [hbm:s0], s1  }
0x79: {  	s0 =	simm.s32 @!p0 $0x1  }
0x7a: {  	_ =	swait.ge @!p0 [sflag:s0], s1  }
0x7b: {  	s1 =	ssub.s32 @!p0 $0x0, s1;
	[sflag:s0] =	ssyncset.done @!p0 $0x0  }
0x7c: {  	[sflag:s0] =	ssyncadd.s32 @!p0 s1  }
0x7d: {  	[bflag:$0x3] =	sbarrier.arrive $0xFFFF  }
0x7e: {  	_ =	shalt  }

// kernel: kernel.14.cloned.1.call-start
scs
__scs_entry_jumppad:
0x0: {  	(pc) =	sbr.rel $0x88, $3  }
0x1: {  	(tag) =	ssettag $0x0;
	lr =	simm.s32 $0x1  }
0x2: {  	[smem:$0x3F99] =	sst lr;
	_ =	strace $0xD0000000  }
0x3: {  	_ = 	snop  }
0x4: {  	_ = 	snop  }
0x5: {  	_ = 	snop  }
0x6: {  	_ = 	snop  }
0x7: {  	_ = 	snop  }
__scs_overlays_trampoline_lowered:
0x8: {  	[smem:$0x3FA8] =	sst s0  }
0x9: {  	[smem:$0x3FA9] =	sst s1  }
0xa: {  	[smem:$0x3FAA] =	sst s2  }
0xb: {  	[smem:$0x3FAB] =	sst s3  }
0xc: {  	[smem:$0x3FAC] =	sst s4  }
0xd: {  	[smem:$0x3FAD] =	sst s5  }
0xe: {  	[smem:$0x3FAE] =	sst s6  }
0xf: {  	[smem:$0x3FAF] =	sst s7  }
0x10: {  	[smem:$0x3FB0] =	sst s8  }
0x11: {  	[smem:$0x3FB1] =	sst s9;
	s0 =	simm.s32 @!p0 $0x0  }
0x12: {  	s1 =	sld [smem:$0x3F97];
	s0 =	simm.s32 @p0 $0x1  }
0x13: {  	[smem:$0x3FB2] =	sst s0;
	s0 =	simm.s32 @!p1 $0x0  }
0x14: {  	s2 =	sld [smem:$0x3F96];
	s0 =	simm.s32 @p1 $0x1  }
0x15: {  	[smem:$0x3FB3] =	sst s0;
	s0 =	simm.s32 @!p2 $0x0  }
0x16: {  	s3 =	sld [smem:$0x3FDB];
	s0 =	simm.s32 @p2 $0x1  }
0x17: {  	s4 =	simm.s32 $0x1BF5;
	[smem:$0x3FB5] =	sst s0  }
0x18: {  	s0 =	sld [smem:$0x3F98];
	_ =	swait.ge [sflag:s4], $0x0  }
0x19: {  	s7 =	sld [smem:$0x3F99]  }
0x1a: {  	s8 =	sadd.s32 $0xFFFFE003, lr  }
0x1b: {  	s9 =	sadd.s32 $0xFFFFFEF7, lr;
	s5 =	simm.s32 $0xFFFFFFFF;
	p2 =	slt.u32 s8, $0xFFFFF086  }
0x1c: {  	p1 =	slt.u32 s9, $0xF7A;
	s5 =	simm.s32 @!p2 $0x0  }
0x1d: {  	s5 =	simm.s32 @p1 $0x1;
	p0 =	seq.s32 s7, s2  }
0x1e: {  	s7 =	smul.u32 @!p0 $0xF7A, s2;
	p2 =	seq.s32 @!p0 s5, $0x0  }
0x1f: {  	s9 =	smul.u32 $0xF7A, s1;
	s8 =	simm.s32 @!p0 $0x1BF5;
	p2 =	por !p2, p0  }
0x20: {  	[sflag:s8] =	ssyncset.s32 @!p0 $0xFFFFF086;
	s6 =	sadd.s32 @!p0 s3, s7;
	s7 =	simm.s32 @!p0 $0x108  }
0x21: {  	s3 =	sadd.s32 s3, s9;
	s6 =	sadd.s32 @!p0 $0x88, s6;
	s7 =	simm.s32 @p2 $0x1082  }
0x22: {  	[simem:s7], [sflag:s8] =	dma.local @!p0 [hbm:s6], $0xF7A  }
0x23: {  	s9 =	sor.u32 $0xD0000000, s2;
	s6 =	simm.s32 $0x108;
	_ =	swait.ge @!p0 [sflag:s8], $0x0  }
0x24: {  	s3 =	sadd.s32 $0x88, s3;
	s6 =	simm.s32 @!p1 $0x1082;
	[sflag:s4] =	ssyncset.s32 $0xFFFFF086  }
0x25: {  	[simem:s6], [sflag:s4] =	dma.local [hbm:s3], $0xF7A  }
0x26: {  	[smem:$0x3F99] =	sst s1;
	(tag) =	ssettag s2;
	_ =	strace s9  }
0x27: {  	s1 =	sld [smem:$0x3FA9]  }
0x28: {  	s2 =	sld [smem:$0x3FAA]  }
0x29: {  	s4 =	sld [smem:$0x3FAC]  }
0x2a: {  	p0 =	seq.s32 s5, $0x0;
	s5 =	sld [smem:$0x3FAD]  }
0x2b: {  	s6 =	sld [smem:$0x3FAE]  }
0x2c: {  	s7 =	sld [smem:$0x3FAF]  }
0x2d: {  	s3 =	simm.s32 $0x108;
	s8 =	sld [smem:$0x3FB0]  }
0x2e: {  	s3 =	simm.s32 @!p0 $0x1082;
	s9 =	sld [smem:$0x3FB1]  }
0x2f: {  	lr =	sadd.s32 s0, s3;
	s0 =	sld [smem:$0x3FA8]  }
0x30: {  	s3 =	sld [smem:$0x3FAB]  }
0x31: {  	[smem:$0x3FB4] =	sst s10  }
0x32: {  	s10 =	sld [smem:$0x3FB2];
	_ =	sdelay $0x3  }
0x33: {  	p0 =	seq.s32 s10, $0x1;
	s10 =	sld [smem:$0x3FB4];
	_ =	sdelay $0x3  }
0x34: {  	[smem:$0x3FB4] =	sst s10  }
0x35: {  	s10 =	sld [smem:$0x3FB3];
	_ =	sdelay $0x3  }
0x36: {  	p1 =	seq.s32 s10, $0x1;
	s10 =	sld [smem:$0x3FB4];
	_ =	sdelay $0x3  }
0x37: {  	[smem:$0x3FB4] =	sst s10  }
0x38: {  	s10 =	sld [smem:$0x3FB5]  }
0x39: {  	_ = 	snop;
	(pc) =	sbr.ind lr, $3  }
0x3a: {  	_ = 	snop  }
0x3b: {  	_ = 	snop  }
0x3c: {  	p2 =	seq.s32 s10, $0x1;
	s10 =	sld [smem:$0x3FB4]  }
0x3d: {  	_ =	shalt  }
0x3e: {  	_ =	shalt  }
0x3f: {  	_ =	shalt  }
0x40: {  	_ =	shalt  }
0x41: {  	_ =	shalt  }
0x42: {  	_ =	shalt  }
0x43: {  	_ =	shalt  }
0x44: {  	_ =	shalt  }
0x45: {  	_ =	shalt  }
0x46: {  	_ =	shalt  }
0x47: {  	_ =	shalt  }
0x48: {  	_ =	shalt  }
0x49: {  	_ =	shalt  }
0x4a: {  	_ =	shalt  }
0x4b: {  	_ =	shalt  }
0x4c: {  	_ =	shalt  }
0x4d: {  	_ =	shalt  }
0x4e: {  	_ =	shalt  }
0x4f: {  	_ =	shalt  }
0x50: {  	_ =	shalt  }
0x51: {  	_ =	shalt  }
0x52: {  	_ =	shalt  }
0x53: {  	_ =	shalt  }
0x54: {  	_ =	shalt  }
0x55: {  	_ =	shalt  }
0x56: {  	_ =	shalt  }
0x57: {  	_ =	shalt  }
0x58: {  	_ =	shalt  }
0x59: {  	_ =	shalt  }
0x5a: {  	_ =	shalt  }
0x5b: {  	_ =	shalt  }
0x5c: {  	_ =	shalt  }
0x5d: {  	_ =	shalt  }
0x5e: {  	_ =	shalt  }
0x5f: {  	_ =	shalt  }
0x60: {  	_ =	shalt  }
0x61: {  	_ =	shalt  }
0x62: {  	_ =	shalt  }
0x63: {  	_ =	shalt  }
0x64: {  	_ =	shalt  }
0x65: {  	_ =	shalt  }
0x66: {  	_ =	shalt  }
0x67: {  	_ =	shalt  }
0x68: {  	_ =	shalt  }
0x69: {  	_ =	shalt  }
0x6a: {  	_ =	shalt  }
0x6b: {  	_ =	shalt  }
0x6c: {  	_ =	shalt  }
0x6d: {  	_ =	shalt  }
0x6e: {  	_ =	shalt  }
0x6f: {  	_ =	shalt  }
0x70: {  	_ =	shalt  }
0x71: {  	_ =	shalt  }
0x72: {  	_ =	shalt  }
0x73: {  	_ =	shalt  }
0x74: {  	_ =	shalt  }
0x75: {  	_ =	shalt  }
0x76: {  	_ =	shalt  }
0x77: {  	_ =	shalt  }
0x78: {  	_ =	shalt  }
0x79: {  	_ =	shalt  }
0x7a: {  	_ =	shalt  }
0x7b: {  	_ =	shalt  }
0x7c: {  	_ =	shalt  }
0x7d: {  	_ =	shalt  }
0x7e: {  	_ =	shalt  }
0x7f: {  	_ =	shalt  }
0x80: {  	_ =	shalt  }
0x81: {  	_ =	shalt  }
0x82: {  	_ =	shalt  }
0x83: {  	_ =	shalt  }
0x84: {  	_ =	shalt  }
0x85: {  	_ =	shalt  }
0x86: {  	_ =	shalt  }
0x87: {  	_ =	shalt  }
.Lfunc_end0:
.L_simem_size_0:
called_computation.2_lowered:
.L_overlay_start_0:
0x88: {  	s2 =	sld [smem:$0x3FD9]  }
0x89: {  	s3 =	sld [smem:$0x3FFE];
	_ =	sdelay $0x1  }
0x8a: {  	s1 =	srdreg.scid  }
0x8b: {  	s0 =	sand.u32 $0x1, s1  }
0x8c: {  	s16 =	sshll.u32 s0, $0xA;
	s2 =	sadd.s32 s3, s2  }
0x8d: {  	s2 =	sadd.s32 s2, s16  }
0x8e: {  	[smem:$0x3FC0] =	sst s2  }
0x8f: {  	_ = 	snop  }
0x90: {  	(tm) =	ssettm $0x1  }
0x91: {  	s17 =	sld [smem:$0x3FFB];
	_ =	sdelay $0x3  }
0x92: {  	_ =	strace s17  }
0x93: {  	s2 =	sld [smem:$0x3FFC];
	_ =	sdelay $0x3  }
0x94: {  	_ =	strace s2  }
0x95: {  	s2 =	sld [smem:$0x3FFD];
	_ =	sdelay $0x3  }
0x96: {  	_ =	strace s2  }
0x97: {  	_ =	strace $0x8FFFFFFF  }
0x98: {  	s18 =	sld [smem:$0x3FDB];
	_ =	sdelay $0x1  }
0x99: {  	s19 =	simm.s32 $_scs_section_size  }
0x9a: {  	s4 =	simm.s32 $_size__tile_overlayer_lowered;
	s5 =	simm.s32 $_tile_overlayer_lowered  }
0x9b: {  	s22 =	simm.s32 $0x1BFF;
	s21 =	sshll.u32 s5, $0x1;
	s2 =	sadd.s32 s19, s18  }
0x9c: {  	s6 =	simm.s32 $0x0;
	s20 =	sshll.u32 s4, $0x1;
	s4 =	sadd.s32 s21, s2  }
0x9d: {  	[timem:s6], [sflag:s22] =	dma.local [hbm:s4], s20  }
0x9e: {  	_ =	swait.ge [sflag:s22], s20  }
0x9f: {  	s3 =	ssub.s32 $0x0, s20;
	[sflag:s22] =	ssyncset.done $0x0  }
0xa0: {  	[sflag:s22] =	ssyncadd.s32 s3;
	_ =	sdelay $0x1  }
0xa1: {  	s23 =	simm.s32 $0x1B8B  }
0xa2: {  	_ =	swait.ge [sflag:s23], $0x1  }
0xa3: {  	[sflag:s23] =	ssyncset.done $0x0  }
0xa4: {  	s25 =	simm.s32 $0x1B8E;
	s24 =	sld [smem:$0x3FFE];
	[sflag:s23] =	ssyncadd.s32 $0xFFFFFFFF  }
0xa5: {  	s26 =	simm.s32 $execute0_lowered;
	[smem:$0x3FD2] =	sst s25  }
0xa6: {  	s4 =	sshll.u32 s26, $0x1;
	_ =	strace $0x8000004C;
	[dreg:$0x1] =	wrdreg $0xFFFFFFFF  }
0xa7: {  	s28 =	simm.s32 $_size_execute0_lowered;
	s2 =	sadd.s32 s2, s4;
	[dreg:$0x0] =	wrdreg $0x0  }
0xa8: {  	s4 =	sshll.u32 s28, $0x1;
	[dreg:$0x2] =	wrdreg s2  }
0xa9: {  	[dreg:$0x3] =	wrdreg s4  }
0xaa: {  	[dreg:$0x4] =	wrdreg $0xC0  }
0xab: {  	_ =	task [dreg:s6], $0x5FFFF  }
0xac: {  	[dreg:$0x1] =	wrdreg $0xFFFFFFFF  }
0xad: {  	[dreg:$0x0] =	wrdreg $0x60  }
0xae: {  	[dreg:$0x2] =	wrdreg s24  }
0xaf: {  	[dreg:$0x3] =	wrdreg $0x90000  }
0xb0: {  	[dreg:$0x4] =	wrdreg $0x9  }
0xb1: {  	_ =	task.clear_ibuf [dreg:s6], $0x5FFFF;
	_ =	strace $0x9000004C  }
0xb2: {  	s29 =	simm.s32 $0x9;
	_ =	strace $0x8000004E  }
0xb3: {  	_ =	swait.ge [sflag:s29], $0x1  }
0xb4: {  	[sflag:s29] =	ssyncadd.s32 $0xFFFFFFFF  }
0xb5: {  	_ =	strace $0x9000004E  }
0xb6: {  	_ =	sfence  }
0xb7: {  	s30 =	sld [smem:$0x0];
	_ =	sdelay $0x2  }
0xb8: {  	s31 =	sshll.u32 s1, $0xD;
	s1 =	sshrl.u32 s1, $0x2  }
0xb9: {  	s3 =	sand.u32 $0x4000, s31;
	s1 =	sadd.s32 s1, s30  }
0xba: {  	s0 =	sor.u32 s3, s0;
	s1 =	sshll.u32 s1, $0x11  }
0xbb: {  	s0 =	sor.u32 s1, s0  }
0xbc: {  	s0 =	sadd.s32 $0x8F2B, s0  }
0xbd: {  	[sflag:s0] =	ssyncadd.remote.s32 $0x1  }
0xbe: {  	_ =	sfence.sel $0xFFFF  }
0xbf: {  	[dreg:$0x0] =	wrdreg $0xFFFFFFFF;
	(pc) =	sbr.abs _section_cstart, $3  }
0xc0: {  	[dreg:$0x1] =	wrdreg $0xFFFFFFFF  }
0xc1: {  	_ =	task.clear_ibuf [dreg:s6], $0x2FFFF;
	_ =	strace $0x9FFFFFFF  }
0xc2: {  	(tm) =	ssettm $0x7FFFFFFF  }
0xc3: {  	_ =	shalt  }
tec
execute0_lowered:
.L_overlay_start_1:
0x0: {  	(tag) =	ssettag $0x1  }
0x1: {  	s5 =	rddreg [dreg:$0x0]  }
0x2: {  	s1 =	rddreg [dreg:$0x1];
	s2 =	srdreg.scid  }
0x3: {  	s0 =	rddreg [dreg:$0x2];
	s3 =	simm.s32 $0x0;
	s21 =	simm.s32 $0x80  }
0x4: {  	s22 =	simm.s32 $0x0;
	s8 =	sand.u32 $0x1, s2;
	s2 =	stileid.u32  }
0x5: {  	[smem:$0x7FF] =	sst s3;
	s16 =	sadd.s32 $0x8EE00, s5;
	s9 =	smul.u32 $0x50000, s2  }
0x6: {  	s4 =	sshll.u32 s8, $0x4;
	_ =	strace $0x8000004D;
	s11 =	smul.u32 $0x14000, s2  }
0x7: {  	s7 =	ssub.s32 $0x2, s8;
	s15 =	smul.u32 $0x140000, s8;
	s4 =	sor.u32 s2, s4  }
0x8: {  	s30 =	sshrl.u32 s7, $0x1;
	s6 =	smul.u32 $0x500, s4;
	s4 =	sadd.s32 $0x66E00, s5  }
0x9: {  	s17 =	ssub.s32 s7, s30;
	s31 =	sshrl.u32 s9, $0x2;
	s12 =	sadd.s32 $0x4000, s11  }
0xa: {  	s14 =	sadd.s32 $0x8000, s11;
	s18 =	sadd.s32 $0xC000, s11;
	s13 =	sadd.s32 s11, s15  }
0xb: {  	s19 =	sadd.s32 $0x10000, s11;
	s7 =	sadd.s32 s31, s1;
	s8 =	sadd.s32 s12, s1  }
0xc: {  	s9 =	sadd.s32 s14, s1;
	s10 =	sadd.s32 s18, s1;
	s12 =	sadd.s32 s15, s12  }
0xd: {  	s13 =	sshrl.u32 s13, $0x3;
	s11 =	sadd.s32 s19, s1;
	s14 =	sadd.s32 s15, s14  }
0xe: {  	s18 =	sadd.s32 s15, s18;
	s15 =	sadd.s32 s15, s19;
	s17 =	smax.u32 s17, $0x1  }
0xf: {  	s6 =	sadd.s32 s6, s5;
	s20 =	sshrl.u32 s12, $0x3;
	s12 =	sadd.s32 s16, s13  }
0x10: {  	s14 =	sshrl.u32 s14, $0x3;
	s18 =	sshrl.u32 s18, $0x3;
	s19 =	sshrl.u32 s15, $0x3  }
0x11: {  	s5 =	sadd.s32 $0x5CE00, s6;
	s6 =	sadd.s32 $0x2E00, s6;
	s13 =	sadd.s32 s16, s20  }
0x12: {  	s14 =	sadd.s32 s16, s14;
	s15 =	sadd.s32 s16, s18;
	s16 =	sadd.s32 s16, s19  }
0x13: {  	v0 =	vimm.f32 $0.0e+00;
	s18 =	simm.s32 $0x1;
	s19 =	simm.s32 $0x2800;
	s20 =	simm.s32 $0x5000  }
.LBB2_1:
0x14: {  	[tilespmem:s3], [sflag:$0x1] =	stream.linear.gather [hbm4b:s5+s3], $0x2780, $0x38;
	[tilespmem:$0x1D000] =	vst v63  }
0x15: {  	_ =	swait.ge [sflag:s18], $0x2780  }
0x16: {  	[sflag:s18] =	ssyncset.done $0x0  }
0x17: {  	[sflag:s18] =	ssyncadd.s32 $0xFFFFD880  }
0x18: {  	[tilespmem:s19], [sflag:$0x1] =	stream.linear.gather [hbm4b:s6+s3], $0x2780, $0x38;
	[tilespmem:$0x1D000] =	vst v63  }
0x19: {  	_ =	swait.ge [sflag:s18], $0x2780  }
0x1a: {  	[sflag:s18] =	ssyncset.done $0x0  }
0x1b: {  	s23 =	simm.s32 $0x0;
	s24 =	simm.s32 $0x200;
	[sflag:s18] =	ssyncadd.s32 $0xFFFFD880  }
.LBB2_2:
0x1c: {  	p0 =	sne.s32 s24, $0xFE00;
	[tilespmem:s23+$0x5070] =	vst v0  }
0x1d: {  	[tilespmem:s23+$0x5000] =	vst v0  }
0x1e: {  	[tilespmem:s23+$0x5010] =	vst v0  }
.Ltmp0:
0x1f: {  	[tilespmem:s23+$0x5020] =	vst v0;
	(pc) =	sbr.rel @p0 .LBB2_2-.Ltmp0, $4  }
0x20: {  	[tilespmem:s23+$0x5030] =	vst v0  }
0x21: {  	[tilespmem:s23+$0x5040] =	vst v0  }
0x22: {  	[tilespmem:s23+$0x5050] =	vst v0  }
0x23: {  	[tilespmem:s23+$0x5060] =	vst v0;
	s23 =	sshra.s32 s24, $0x2;
	s24 =	sadd.s32 $0x200, s24  }
0x24: {  	[tilespmem:s23+$0x5070] =	vst v0  }
0x25: {  	[tilespmem:s23+$0x5000] =	vst v0  }
0x26: {  	[tilespmem:s23+$0x5010] =	vst v0  }
0x27: {  	[tilespmem:s23+$0x5020] =	vst v0  }
0x28: {  	[tilespmem:s23+$0x5030] =	vst v0  }
0x29: {  	[tilespmem:s23+$0x5040] =	vst v0  }
0x2a: {  	[tilespmem:s23+$0x5050] =	vst v0  }
0x2b: {  	[tilespmem:s23+$0x5060] =	vst v0  }
0x2c: {  	[spmem:s7] =	stream.linear.scatter [tilespmem:s20], [sflag:$0x1], $0x4000, $0x38;
	[tilespmem:$0x1D000] =	vst v63  }
0x2d: {  	_ =	swait.ge [sflag:s18], $0x4000  }
0x2e: {  	[sflag:s18] =	ssyncset.done $0x0  }
0x2f: {  	[sflag:s18] =	ssyncadd.s32 $0xFFFFC000  }
0x30: {  	[spmem:s8] =	stream.linear.scatter [tilespmem:s20], [sflag:$0x1], $0x4000, $0x38;
	[tilespmem:$0x1D000] =	vst v63  }
0x31: {  	_ =	swait.ge [sflag:s18], $0x4000  }
0x32: {  	[sflag:s18] =	ssyncset.done $0x0  }
0x33: {  	[sflag:s18] =	ssyncadd.s32 $0xFFFFC000  }
0x34: {  	[spmem:s9] =	stream.linear.scatter [tilespmem:s20], [sflag:$0x1], $0x4000, $0x38;
	[tilespmem:$0x1D000] =	vst v63  }
0x35: {  	_ =	swait.ge [sflag:s18], $0x4000  }
0x36: {  	[sflag:s18] =	ssyncset.done $0x0  }
0x37: {  	[sflag:s18] =	ssyncadd.s32 $0xFFFFC000  }
0x38: {  	[spmem:s10] =	stream.linear.scatter [tilespmem:s20], [sflag:$0x1], $0x4000, $0x38;
	[tilespmem:$0x1D000] =	vst v63  }
0x39: {  	_ =	swait.ge [sflag:s18], $0x4000  }
0x3a: {  	[sflag:s18] =	ssyncset.done $0x0  }
0x3b: {  	[sflag:s18] =	ssyncadd.s32 $0xFFFFC000  }
0x3c: {  	[spmem:s11] =	stream.linear.scatter [tilespmem:s20], [sflag:$0x1], $0x4000, $0x38;
	[tilespmem:$0x1D000] =	vst v63  }
0x3d: {  	_ =	swait.ge [sflag:s18], $0x4000  }
0x3e: {  	[sflag:s18] =	ssyncset.done $0x0  }
0x3f: {  	[sflag:s18] =	ssyncadd.s32 $0xFFFFC000  }
0x40: {  	s30 =	simm.s32 $0x0;
	[bflag:$0x0] =	sbarrier.arrive $0xFFFF  }
0x41: {  	[tilespmem:s20], [sflag:$0x1] =	stream.indirect.gather [hbm4b:s4+s21], $0x80, s30, s21, $0xb8;
	[tilespmem:$0x1D000] =	vst v63  }
0x42: {  	_ =	swait.ge [sflag:s18], $0x4000  }
0x43: {  	[sflag:s18] =	ssyncset.done $0x0  }
0x44: {  	s31 =	simm.s32 $0x2800;
	[sflag:s18] =	ssyncadd.s32 $0xFFFFC000  }
0x45: {  	[spmem:s1] =	stream.indirect.scatter.add.f32 [tilespmem:s20], [sflag:$0x1], $0x80, s31, s21, $0xb8;
	[tilespmem:$0x1D000] =	vst v63  }
0x46: {  	_ =	swait.ge [sflag:s18], $0x4000  }
0x47: {  	s23 =	simm.s32 $0x200;
	s24 =	simm.s32 $0x400;
	[sflag:s18] =	ssyncset.done $0x0  }
.LBB2_4:
0x48: {  	s25 =	sshra.s32 s23, $0x2  }
0x49: {  	[sflag:s18] =	ssyncadd.s32 $0xFFFFC000;
	s23 =	smov.u32 s24;
	s26 =	sadd.s32 $0x200, s24  }
0x4a: {  	[tilespmem:s20], [sflag:$0x1] =	stream.indirect.gather [hbm4b:s4+s21], $0x80, s25, s21, $0xb8;
	[tilespmem:$0x1D000] =	vst v63  }
0x4b: {  	p0 =	sne.s32 s24, $0x9C00;
	_ =	swait.ge [sflag:s18], $0x4000  }
.Ltmp1:
0x4c: {  	[sflag:s18] =	ssyncset.done $0x0;
	(pc) =	sbr.rel @p0 .LBB2_4-.Ltmp1, $4  }
0x4d: {  	s24 =	sadd.s32 $0x2800, s25;
	[sflag:s18] =	ssyncadd.s32 $0xFFFFC000  }
0x4e: {  	[spmem:s1] =	stream.indirect.scatter.add.f32 [tilespmem:s20], [sflag:$0x1], $0x80, s24, s21, $0xb8;
	[tilespmem:$0x1D000] =	vst v63  }
0x4f: {  	_ =	swait.ge [sflag:s18], $0x4000  }
0x50: {  	s24 =	smov.u32 s26;
	[sflag:s18] =	ssyncset.done $0x0  }
0x51: {  	s23 =	sshra.s32 s23, $0x2;
	[sflag:s18] =	ssyncadd.s32 $0xFFFFC000  }
0x52: {  	[tilespmem:s20], [sflag:$0x1] =	stream.indirect.gather [hbm4b:s4+s21], $0x80, s23, s21, $0xb8;
	[tilespmem:$0x1D000] =	vst v63  }
0x53: {  	_ =	swait.ge [sflag:s18], $0x4000  }
0x54: {  	[sflag:s18] =	ssyncset.done $0x0  }
0x55: {  	s23 =	sadd.s32 $0x2800, s23;
	[sflag:s18] =	ssyncadd.s32 $0xFFFFC000  }
0x56: {  	[spmem:s1] =	stream.indirect.scatter.add.f32 [tilespmem:s20], [sflag:$0x1], $0x80, s23, s21, $0xb8;
	[tilespmem:$0x1D000] =	vst v63  }
0x57: {  	_ =	swait.ge [sflag:s18], $0x4000  }
0x58: {  	[sflag:s18] =	ssyncset.done $0x0  }
0x59: {  	s26 =	sshll.u32 s2, $0x6;
	[sflag:s18] =	ssyncadd.s32 $0xFFFFC000  }
0x5a: {  	s24 =	sshrl.u32 s7, $0x3;
	s23 =	sor.u32 $0x1C01, s26;
	[bflag:$0x0] =	sbarrier.arrive $0xFFFF  }
0x5b: {  	[hbm:s12], [sflag:s23] =	dma.local [spmem:s24], $0x800  }
0x5c: {  	_ =	swait.ge [sflag:s18], $0x800  }
0x5d: {  	[sflag:s18] =	ssyncset.done $0x0  }
0x5e: {  	s28 =	sshrl.u32 s8, $0x3;
	[sflag:s18] =	ssyncadd.s32 $0xFFFFF800  }
0x5f: {  	[hbm:s13], [sflag:s23] =	dma.local [spmem:s28], $0x800  }
0x60: {  	_ =	swait.ge [sflag:s18], $0x800  }
0x61: {  	[sflag:s18] =	ssyncset.done $0x0  }
0x62: {  	s29 =	sshrl.u32 s9, $0x3;
	[sflag:s18] =	ssyncadd.s32 $0xFFFFF800  }
0x63: {  	[hbm:s14], [sflag:s23] =	dma.local [spmem:s29], $0x800  }
0x64: {  	_ =	swait.ge [sflag:s18], $0x800  }
0x65: {  	[sflag:s18] =	ssyncset.done $0x0  }
0x66: {  	s30 =	sshrl.u32 s10, $0x3;
	[sflag:s18] =	ssyncadd.s32 $0xFFFFF800  }
0x67: {  	[hbm:s15], [sflag:s23] =	dma.local [spmem:s30], $0x800  }
0x68: {  	s22 =	sadd.s32 $0x1, s22;
	_ =	swait.ge [sflag:s18], $0x800  }
0x69: {  	p0 =	sne.s32 s22, s17;
	[sflag:s18] =	ssyncset.done $0x0  }
.Ltmp2:
0x6a: {  	s31 =	sshrl.u32 s11, $0x3;
	[sflag:s18] =	ssyncadd.s32 $0xFFFFF800;
	(pc) =	sbr.rel @p0 .LBB2_1-.Ltmp2, $4  }
0x6b: {  	[hbm:s16], [sflag:s23] =	dma.local [spmem:s31], $0x800  }
0x6c: {  	_ =	swait.ge [sflag:s18], $0x800  }
0x6d: {  	[sflag:s18] =	ssyncset.done $0x0  }
0x6e: {  	[sflag:s18] =	ssyncadd.s32 $0xFFFFF800  }
0x6f: {  	_ =	sfence.sel $0x180000  }
0x70: {  	[bflag:$0x0] =	sbarrier.arrive $0xFFFF  }
0x71: {  	p0 =	sne.s32 s2, $0x0;
	_ =	strace $0x9000004D  }
0x72: {  	s0 =	sadd.s32 @!p0 $0x100000, s0;
	[bflag:$0x2] =	sbarrier.arrive $0xFFFF  }
0x73: {  	[sflag:s0] =	ssyncadd.tile.s32 @!p0 $0x1;
	_ =	shalt  }
.Lfunc_end2:
_tile_overlayer_lowered:
.L_overlay_start_2:
0x74: {  	(tag) =	ssettag $0x2  }
0x75: {  	s0 =	rddreg [dreg:$0x0];
	s2 =	stileid.u32  }
0x76: {  	s1 =	rddreg [dreg:$0x1];
	p0 =	sne.s32 s2, $0x0  }
0x77: {  	s3 =	rddreg [dreg:$0x2];
	[bflag:$0x3] =	sbarrier.arrive $0xFFFF;
	s2 =	simm.s32 @!p0 $0x1C01  }
0x78: {  	[timem:s3], [sflag:s2] =	dma.local @!p0 [hbm:s0], s1  }
0x79: {  	s0 =	simm.s32 @!p0 $0x1  }
0x7a: {  	_ =	swait.ge @!p0 [sflag:s0], s1  }
0x7b: {  	s1 =	ssub.s32 @!p0 $0x0, s1;
	[sflag:s0] =	ssyncset.done @!p0 $0x0  }
0x7c: {  	[sflag:s0] =	ssyncadd.s32 @!p0 s1  }
0x7d: {  	[bflag:$0x3] =	sbarrier.arrive $0xFFFF  }
0x7e: {  	_ =	shalt  }

// kernel: kernel.8.cloned.1.call-start
scs
__scs_entry_jumppad:
0x0: {  	(pc) =	sbr.rel $0x88, $3  }
0x1: {  	(tag) =	ssettag $0x0;
	lr =	simm.s32 $0x1  }
0x2: {  	[smem:$0x3F99] =	sst lr;
	_ =	strace $0xD0000000  }
0x3: {  	_ = 	snop  }
0x4: {  	_ = 	snop  }
0x5: {  	_ = 	snop  }
0x6: {  	_ = 	snop  }
0x7: {  	_ = 	snop  }
__scs_overlays_trampoline_lowered:
0x8: {  	[smem:$0x3FA8] =	sst s0  }
0x9: {  	[smem:$0x3FA9] =	sst s1  }
0xa: {  	[smem:$0x3FAA] =	sst s2  }
0xb: {  	[smem:$0x3FAB] =	sst s3  }
0xc: {  	[smem:$0x3FAC] =	sst s4  }
0xd: {  	[smem:$0x3FAD] =	sst s5  }
0xe: {  	[smem:$0x3FAE] =	sst s6  }
0xf: {  	[smem:$0x3FAF] =	sst s7  }
0x10: {  	[smem:$0x3FB0] =	sst s8  }
0x11: {  	[smem:$0x3FB1] =	sst s9;
	s0 =	simm.s32 @!p0 $0x0  }
0x12: {  	s1 =	sld [smem:$0x3F97];
	s0 =	simm.s32 @p0 $0x1  }
0x13: {  	[smem:$0x3FB2] =	sst s0;
	s0 =	simm.s32 @!p1 $0x0  }
0x14: {  	s2 =	sld [smem:$0x3F96];
	s0 =	simm.s32 @p1 $0x1  }
0x15: {  	[smem:$0x3FB3] =	sst s0;
	s0 =	simm.s32 @!p2 $0x0  }
0x16: {  	s3 =	sld [smem:$0x3FDB];
	s0 =	simm.s32 @p2 $0x1  }
0x17: {  	s4 =	simm.s32 $0x1BF5;
	[smem:$0x3FB5] =	sst s0  }
0x18: {  	s0 =	sld [smem:$0x3F98];
	_ =	swait.ge [sflag:s4], $0x0  }
0x19: {  	s7 =	sld [smem:$0x3F99]  }
0x1a: {  	s8 =	sadd.s32 $0xFFFFE003, lr  }
0x1b: {  	s9 =	sadd.s32 $0xFFFFFEF7, lr;
	s5 =	simm.s32 $0xFFFFFFFF;
	p2 =	slt.u32 s8, $0xFFFFF086  }
0x1c: {  	p1 =	slt.u32 s9, $0xF7A;
	s5 =	simm.s32 @!p2 $0x0  }
0x1d: {  	s5 =	simm.s32 @p1 $0x1;
	p0 =	seq.s32 s7, s2  }
0x1e: {  	s7 =	smul.u32 @!p0 $0xF7A, s2;
	p2 =	seq.s32 @!p0 s5, $0x0  }
0x1f: {  	s9 =	smul.u32 $0xF7A, s1;
	s8 =	simm.s32 @!p0 $0x1BF5;
	p2 =	por !p2, p0  }
0x20: {  	[sflag:s8] =	ssyncset.s32 @!p0 $0xFFFFF086;
	s6 =	sadd.s32 @!p0 s3, s7;
	s7 =	simm.s32 @!p0 $0x108  }
0x21: {  	s3 =	sadd.s32 s3, s9;
	s6 =	sadd.s32 @!p0 $0x88, s6;
	s7 =	simm.s32 @p2 $0x1082  }
0x22: {  	[simem:s7], [sflag:s8] =	dma.local @!p0 [hbm:s6], $0xF7A  }
0x23: {  	s9 =	sor.u32 $0xD0000000, s2;
	s6 =	simm.s32 $0x108;
	_ =	swait.ge @!p0 [sflag:s8], $0x0  }
0x24: {  	s3 =	sadd.s32 $0x88, s3;
	s6 =	simm.s32 @!p1 $0x1082;
	[sflag:s4] =	ssyncset.s32 $0xFFFFF086  }
0x25: {  	[simem:s6], [sflag:s4] =	dma.local [hbm:s3], $0xF7A  }
0x26: {  	[smem:$0x3F99] =	sst s1;
	(tag) =	ssettag s2;
	_ =	strace s9  }
0x27: {  	s1 =	sld [smem:$0x3FA9]  }
0x28: {  	s2 =	sld [smem:$0x3FAA]  }
0x29: {  	s4 =	sld [smem:$0x3FAC]  }
0x2a: {  	p0 =	seq.s32 s5, $0x0;
	s5 =	sld [smem:$0x3FAD]  }
0x2b: {  	s6 =	sld [smem:$0x3FAE]  }
0x2c: {  	s7 =	sld [smem:$0x3FAF]  }
0x2d: {  	s3 =	simm.s32 $0x108;
	s8 =	sld [smem:$0x3FB0]  }
0x2e: {  	s3 =	simm.s32 @!p0 $0x1082;
	s9 =	sld [smem:$0x3FB1]  }
0x2f: {  	lr =	sadd.s32 s0, s3;
	s0 =	sld [smem:$0x3FA8]  }
0x30: {  	s3 =	sld [smem:$0x3FAB]  }
0x31: {  	[smem:$0x3FB4] =	sst s10  }
0x32: {  	s10 =	sld [smem:$0x3FB2];
	_ =	sdelay $0x3  }
0x33: {  	p0 =	seq.s32 s10, $0x1;
	s10 =	sld [smem:$0x3FB4];
	_ =	sdelay $0x3  }
0x34: {  	[smem:$0x3FB4] =	sst s10  }
0x35: {  	s10 =	sld [smem:$0x3FB3];
	_ =	sdelay $0x3  }
0x36: {  	p1 =	seq.s32 s10, $0x1;
	s10 =	sld [smem:$0x3FB4];
	_ =	sdelay $0x3  }
0x37: {  	[smem:$0x3FB4] =	sst s10  }
0x38: {  	s10 =	sld [smem:$0x3FB5]  }
0x39: {  	_ = 	snop;
	(pc) =	sbr.ind lr, $3  }
0x3a: {  	_ = 	snop  }
0x3b: {  	_ = 	snop  }
0x3c: {  	p2 =	seq.s32 s10, $0x1;
	s10 =	sld [smem:$0x3FB4]  }
0x3d: {  	_ =	shalt  }
0x3e: {  	_ =	shalt  }
0x3f: {  	_ =	shalt  }
0x40: {  	_ =	shalt  }
0x41: {  	_ =	shalt  }
0x42: {  	_ =	shalt  }
0x43: {  	_ =	shalt  }
0x44: {  	_ =	shalt  }
0x45: {  	_ =	shalt  }
0x46: {  	_ =	shalt  }
0x47: {  	_ =	shalt  }
0x48: {  	_ =	shalt  }
0x49: {  	_ =	shalt  }
0x4a: {  	_ =	shalt  }
0x4b: {  	_ =	shalt  }
0x4c: {  	_ =	shalt  }
0x4d: {  	_ =	shalt  }
0x4e: {  	_ =	shalt  }
0x4f: {  	_ =	shalt  }
0x50: {  	_ =	shalt  }
0x51: {  	_ =	shalt  }
0x52: {  	_ =	shalt  }
0x53: {  	_ =	shalt  }
0x54: {  	_ =	shalt  }
0x55: {  	_ =	shalt  }
0x56: {  	_ =	shalt  }
0x57: {  	_ =	shalt  }
0x58: {  	_ =	shalt  }
0x59: {  	_ =	shalt  }
0x5a: {  	_ =	shalt  }
0x5b: {  	_ =	shalt  }
0x5c: {  	_ =	shalt  }
0x5d: {  	_ =	shalt  }
0x5e: {  	_ =	shalt  }
0x5f: {  	_ =	shalt  }
0x60: {  	_ =	shalt  }
0x61: {  	_ =	shalt  }
0x62: {  	_ =	shalt  }
0x63: {  	_ =	shalt  }
0x64: {  	_ =	shalt  }
0x65: {  	_ =	shalt  }
0x66: {  	_ =	shalt  }
0x67: {  	_ =	shalt  }
0x68: {  	_ =	shalt  }
0x69: {  	_ =	shalt  }
0x6a: {  	_ =	shalt  }
0x6b: {  	_ =	shalt  }
0x6c: {  	_ =	shalt  }
0x6d: {  	_ =	shalt  }
0x6e: {  	_ =	shalt  }
0x6f: {  	_ =	shalt  }
0x70: {  	_ =	shalt  }
0x71: {  	_ =	shalt  }
0x72: {  	_ =	shalt  }
0x73: {  	_ =	shalt  }
0x74: {  	_ =	shalt  }
0x75: {  	_ =	shalt  }
0x76: {  	_ =	shalt  }
0x77: {  	_ =	shalt  }
0x78: {  	_ =	shalt  }
0x79: {  	_ =	shalt  }
0x7a: {  	_ =	shalt  }
0x7b: {  	_ =	shalt  }
0x7c: {  	_ =	shalt  }
0x7d: {  	_ =	shalt  }
0x7e: {  	_ =	shalt  }
0x7f: {  	_ =	shalt  }
0x80: {  	_ =	shalt  }
0x81: {  	_ =	shalt  }
0x82: {  	_ =	shalt  }
0x83: {  	_ =	shalt  }
0x84: {  	_ =	shalt  }
0x85: {  	_ =	shalt  }
0x86: {  	_ =	shalt  }
0x87: {  	_ =	shalt  }
.Lfunc_end0:
.L_simem_size_0:
called_computation_lowered:
.L_overlay_start_0:
0x88: {  	s2 =	sld [smem:$0x3FD9]  }
0x89: {  	s3 =	sld [smem:$0x3FFE];
	_ =	sdelay $0x1  }
0x8a: {  	s1 =	srdreg.scid  }
0x8b: {  	s0 =	sand.u32 $0x1, s1  }
0x8c: {  	s16 =	sshll.u32 s0, $0xA;
	s2 =	sadd.s32 s3, s2  }
0x8d: {  	s2 =	sadd.s32 s2, s16  }
0x8e: {  	[smem:$0x3FC0] =	sst s2  }
0x8f: {  	_ = 	snop  }
0x90: {  	(tm) =	ssettm $0x1  }
0x91: {  	s17 =	sld [smem:$0x3FFB];
	_ =	sdelay $0x3  }
0x92: {  	_ =	strace s17  }
0x93: {  	s2 =	sld [smem:$0x3FFC];
	_ =	sdelay $0x3  }
0x94: {  	_ =	strace s2  }
0x95: {  	s2 =	sld [smem:$0x3FFD];
	_ =	sdelay $0x3  }
0x96: {  	_ =	strace s2  }
0x97: {  	_ =	strace $0x8FFFFFFF  }
0x98: {  	s18 =	sld [smem:$0x3FDB];
	_ =	sdelay $0x1  }
0x99: {  	s19 =	simm.s32 $_scs_section_size  }
0x9a: {  	s4 =	simm.s32 $_size__tile_overlayer_lowered;
	s5 =	simm.s32 $_tile_overlayer_lowered  }
0x9b: {  	s22 =	simm.s32 $0x1BFF;
	s21 =	sshll.u32 s5, $0x1;
	s2 =	sadd.s32 s19, s18  }
0x9c: {  	s6 =	simm.s32 $0x0;
	s20 =	sshll.u32 s4, $0x1;
	s4 =	sadd.s32 s21, s2  }
0x9d: {  	[timem:s6], [sflag:s22] =	dma.local [hbm:s4], s20  }
0x9e: {  	_ =	swait.ge [sflag:s22], s20  }
0x9f: {  	s3 =	ssub.s32 $0x0, s20;
	[sflag:s22] =	ssyncset.done $0x0  }
0xa0: {  	[sflag:s22] =	ssyncadd.s32 s3;
	_ =	sdelay $0x1  }
0xa1: {  	s23 =	simm.s32 $0x1B8B  }
0xa2: {  	_ =	swait.ge [sflag:s23], $0x1  }
0xa3: {  	[sflag:s23] =	ssyncset.done $0x0  }
0xa4: {  	s25 =	simm.s32 $0x1B8E;
	s24 =	sld [smem:$0x3FFE];
	[sflag:s23] =	ssyncadd.s32 $0xFFFFFFFF  }
0xa5: {  	s26 =	simm.s32 $execute0_lowered;
	[smem:$0x3FD2] =	sst s25  }
0xa6: {  	s4 =	sshll.u32 s26, $0x1;
	_ =	strace $0x80000046;
	[dreg:$0x1] =	wrdreg $0xFFFFFFFF  }
0xa7: {  	s28 =	simm.s32 $_size_execute0_lowered;
	s2 =	sadd.s32 s2, s4;
	[dreg:$0x0] =	wrdreg $0x0  }
0xa8: {  	s4 =	sshll.u32 s28, $0x1;
	[dreg:$0x2] =	wrdreg s2  }
0xa9: {  	[dreg:$0x3] =	wrdreg s4  }
0xaa: {  	[dreg:$0x4] =	wrdreg $0xC0  }
0xab: {  	_ =	task [dreg:s6], $0x5FFFF  }
0xac: {  	[dreg:$0x1] =	wrdreg $0xFFFFFFFF  }
0xad: {  	[dreg:$0x0] =	wrdreg $0x60  }
0xae: {  	[dreg:$0x2] =	wrdreg s24  }
0xaf: {  	[dreg:$0x3] =	wrdreg $0xA8000  }
0xb0: {  	[dreg:$0x4] =	wrdreg $0x9  }
0xb1: {  	_ =	task.clear_ibuf [dreg:s6], $0x5FFFF;
	_ =	strace $0x90000046  }
0xb2: {  	s29 =	simm.s32 $0x9;
	_ =	strace $0x80000048  }
0xb3: {  	_ =	swait.ge [sflag:s29], $0x1  }
0xb4: {  	[sflag:s29] =	ssyncadd.s32 $0xFFFFFFFF  }
0xb5: {  	_ =	strace $0x90000048  }
0xb6: {  	_ =	sfence  }
0xb7: {  	s30 =	sld [smem:$0x0];
	_ =	sdelay $0x2  }
0xb8: {  	s31 =	sshll.u32 s1, $0xD;
	s1 =	sshrl.u32 s1, $0x2  }
0xb9: {  	s3 =	sand.u32 $0x4000, s31;
	s1 =	sadd.s32 s1, s30  }
0xba: {  	s0 =	sor.u32 s3, s0;
	s1 =	sshll.u32 s1, $0x11  }
0xbb: {  	s0 =	sor.u32 s1, s0  }
0xbc: {  	s0 =	sadd.s32 $0x8F2B, s0  }
0xbd: {  	[sflag:s0] =	ssyncadd.remote.s32 $0x1  }
0xbe: {  	_ =	sfence.sel $0xFFFF  }
0xbf: {  	[dreg:$0x0] =	wrdreg $0xFFFFFFFF;
	(pc) =	sbr.abs _section_cstart, $3  }
0xc0: {  	[dreg:$0x1] =	wrdreg $0xFFFFFFFF  }
0xc1: {  	_ =	task.clear_ibuf [dreg:s6], $0x2FFFF;
	_ =	strace $0x9FFFFFFF  }
0xc2: {  	(tm) =	ssettm $0x7FFFFFFF  }
0xc3: {  	_ =	shalt  }
tec
execute0_lowered:
.L_overlay_start_1:
0x0: {  	(tag) =	ssettag $0x1  }
0x1: {  	s0 =	srdreg.scid;
	s4 =	rddreg [dreg:$0x0]  }
0x2: {  	s2 =	rddreg [dreg:$0x1];
	s1 =	stileid.u32  }
0x3: {  	s3 =	simm.s32 $0x0;
	s19 =	simm.s32 $0x2800;
	s20 =	simm.s32 $0x0  }
0x4: {  	s6 =	sand.u32 $0x1, s0;
	s0 =	rddreg [dreg:$0x2];
	s7 =	smul.u32 $0x50000, s1  }
0x5: {  	[smem:$0x7FF] =	sst s3;
	s14 =	sadd.s32 $0xCE00, s4;
	s9 =	smul.u32 $0x14000, s1  }
0x6: {  	s5 =	sshll.u32 s6, $0x4;
	_ =	strace $0x80000047;
	s31 =	ssub.s32 $0x2, s6  }
0x7: {  	s13 =	smul.u32 $0x140000, s6;
	s5 =	sor.u32 s1, s5;
	s8 =	sshrl.u32 s31, $0x1  }
0x8: {  	s7 =	sshrl.u32 s7, $0x2;
	s10 =	sadd.s32 $0x4000, s9;
	s12 =	sadd.s32 $0x8000, s9  }
0x9: {  	s16 =	sadd.s32 $0xC000, s9;
	s17 =	sadd.s32 $0x10000, s9;
	s5 =	smul.u32 $0x500, s5  }
0xa: {  	s15 =	ssub.s32 s31, s8;
	s6 =	sadd.s32 s10, s2;
	s8 =	sadd.s32 s16, s2  }
0xb: {  	s11 =	sadd.s32 s9, s13;
	s10 =	sadd.s32 s13, s10;
	s9 =	sadd.s32 s17, s2  }
0xc: {  	s16 =	sadd.s32 s13, s16;
	s11 =	sshrl.u32 s11, $0x3;
	s18 =	sshrl.u32 s10, $0x3  }
0xd: {  	s16 =	sshrl.u32 s16, $0x3;
	s15 =	smax.u32 s15, $0x1;
	s5 =	sadd.s32 s5, s4  }
0xe: {  	s10 =	sadd.s32 s14, s11;
	s11 =	sadd.s32 s14, s18;
	s4 =	sadd.s32 $0x2E00, s5  }
0xf: {  	s5 =	sadd.s32 s7, s2;
	s7 =	sadd.s32 s12, s2;
	s12 =	sadd.s32 s13, s12  }
0x10: {  	s18 =	simm.s32 $0x80;
	s13 =	sadd.s32 s13, s17;
	s12 =	sshrl.u32 s12, $0x3  }
0x11: {  	s17 =	sshrl.u32 s13, $0x3;
	s13 =	sadd.s32 s14, s16;
	s16 =	simm.s32 $0x1  }
0x12: {  	v0 =	vimm.f32 $1.000000000e+00;
	v1 =	vimm.f32 $0.0e+00;
	s12 =	sadd.s32 s14, s12;
	s14 =	sadd.s32 s14, s17;
	s17 =	simm.s32 $0x6800  }
.LBB2_1:
0x13: {  	[tilespmem:s3], [sflag:$0x1] =	stream.linear.gather [hbm4b:s4+s3], $0x2780, $0x38;
	[tilespmem:$0xD000] =	vst v63  }
0x14: {  	_ =	swait.ge [sflag:s16], $0x2780  }
0x15: {  	[sflag:s16] =	ssyncset.done $0x0  }
0x16: {  	s21 =	simm.s32 $0x200;
	s22 =	simm.s32 $0x0;
	[sflag:s16] =	ssyncadd.s32 $0xFFFFD880  }
.LBB2_2:
0x17: {  	p0 =	sne.s32 s21, $0xFE00;
	[tilespmem:s22+$0x2800] =	vst v0;
	s23 =	smov.u32 s21;
	s21 =	sadd.s32 $0x200, s21  }
.Ltmp0:
0x18: {  	[tilespmem:s22+$0x6800] =	vst v1;
	(pc) =	sbr.rel @p0 .LBB2_2-.Ltmp0, $2  }
0x19: {  	_ =	sdelay $0x2  }
0x1a: {  	s22 =	sshra.s32 s23, $0x2  }
0x1b: {  	[tilespmem:s22+$0x2800] =	vst v0  }
0x1c: {  	[tilespmem:s22+$0x6800] =	vst v1  }
0x1d: {  	[spmem:s5] =	stream.linear.scatter [tilespmem:s17], [sflag:$0x1], $0x4000, $0x38;
	[tilespmem:$0xD000] =	vst v63  }
0x1e: {  	_ =	swait.ge [sflag:s16], $0x4000  }
0x1f: {  	[sflag:s16] =	ssyncset.done $0x0  }
0x20: {  	[sflag:s16] =	ssyncadd.s32 $0xFFFFC000  }
0x21: {  	[spmem:s6] =	stream.linear.scatter [tilespmem:s17], [sflag:$0x1], $0x4000, $0x38;
	[tilespmem:$0xD000] =	vst v63  }
0x22: {  	_ =	swait.ge [sflag:s16], $0x4000  }
0x23: {  	[sflag:s16] =	ssyncset.done $0x0  }
0x24: {  	[sflag:s16] =	ssyncadd.s32 $0xFFFFC000  }
0x25: {  	[spmem:s7] =	stream.linear.scatter [tilespmem:s17], [sflag:$0x1], $0x4000, $0x38;
	[tilespmem:$0xD000] =	vst v63  }
0x26: {  	_ =	swait.ge [sflag:s16], $0x4000  }
0x27: {  	[sflag:s16] =	ssyncset.done $0x0  }
0x28: {  	[sflag:s16] =	ssyncadd.s32 $0xFFFFC000  }
0x29: {  	[spmem:s8] =	stream.linear.scatter [tilespmem:s17], [sflag:$0x1], $0x4000, $0x38;
	[tilespmem:$0xD000] =	vst v63  }
0x2a: {  	_ =	swait.ge [sflag:s16], $0x4000  }
0x2b: {  	[sflag:s16] =	ssyncset.done $0x0  }
0x2c: {  	[sflag:s16] =	ssyncadd.s32 $0xFFFFC000  }
0x2d: {  	[spmem:s9] =	stream.linear.scatter [tilespmem:s17], [sflag:$0x1], $0x4000, $0x38;
	[tilespmem:$0xD000] =	vst v63  }
0x2e: {  	_ =	swait.ge [sflag:s16], $0x4000  }
0x2f: {  	[sflag:s16] =	ssyncset.done $0x0  }
0x30: {  	[sflag:s16] =	ssyncadd.s32 $0xFFFFC000  }
0x31: {  	s21 =	simm.s32 $0x0;
	[bflag:$0x0] =	sbarrier.arrive $0xFFFF  }
0x32: {  	[spmem:s2] =	stream.indirect.scatter.add.f32 [tilespmem:s19], [sflag:$0x1], $0x10, s21, s18, $0xb8;
	[tilespmem:$0xD000] =	vst v63  }
0x33: {  	_ =	swait.ge [sflag:s16], $0x800  }
0x34: {  	s21 =	simm.s32 $0x200;
	[sflag:s16] =	ssyncset.done $0x0  }
.LBB2_4:
0x35: {  	s22 =	sshra.s32 s21, $0x2;
	[sflag:s16] =	ssyncadd.s32 $0xFFFFF800;
	p0 =	sne.s32 s21, $0x9C00  }
0x36: {  	[spmem:s2] =	stream.indirect.scatter.add.f32 [tilespmem:s19], [sflag:$0x1], $0x10, s22, s18, $0xb8;
	[tilespmem:$0xD000] =	vst v63  }
.Ltmp1:
0x37: {  	_ = 	snop;
	(pc) =	sbr.rel @p0 .LBB2_4-.Ltmp1, $4  }
0x38: {  	_ = 	snop  }
0x39: {  	s21 =	sadd.s32 $0x200, s21  }
0x3a: {  	_ =	swait.ge [sflag:s16], $0x800  }
0x3b: {  	[sflag:s16] =	ssyncset.done $0x0  }
0x3c: {  	[sflag:s16] =	ssyncadd.s32 $0xFFFFF800;
	s21 =	sshll.u32 s1, $0x6  }
0x3d: {  	s22 =	sshrl.u32 s5, $0x3;
	[bflag:$0x0] =	sbarrier.arrive $0xFFFF;
	s21 =	sor.u32 $0x1C01, s21  }
0x3e: {  	[hbm:s10], [sflag:s21] =	dma.local [spmem:s22], $0x800  }
0x3f: {  	_ =	swait.ge [sflag:s16], $0x800  }
0x40: {  	[sflag:s16] =	ssyncset.done $0x0  }
0x41: {  	s28 =	sshrl.u32 s6, $0x3;
	[sflag:s16] =	ssyncadd.s32 $0xFFFFF800  }
0x42: {  	[hbm:s11], [sflag:s21] =	dma.local [spmem:s28], $0x800  }
0x43: {  	_ =	swait.ge [sflag:s16], $0x800  }
0x44: {  	[sflag:s16] =	ssyncset.done $0x0  }
0x45: {  	s29 =	sshrl.u32 s7, $0x3;
	[sflag:s16] =	ssyncadd.s32 $0xFFFFF800  }
0x46: {  	[hbm:s12], [sflag:s21] =	dma.local [spmem:s29], $0x800  }
0x47: {  	_ =	swait.ge [sflag:s16], $0x800  }
0x48: {  	[sflag:s16] =	ssyncset.done $0x0  }
0x49: {  	s30 =	sshrl.u32 s8, $0x3;
	[sflag:s16] =	ssyncadd.s32 $0xFFFFF800  }
0x4a: {  	[hbm:s13], [sflag:s21] =	dma.local [spmem:s30], $0x800  }
0x4b: {  	s20 =	sadd.s32 $0x1, s20;
	_ =	swait.ge [sflag:s16], $0x800  }
0x4c: {  	p0 =	sne.s32 s20, s15;
	[sflag:s16] =	ssyncset.done $0x0  }
.Ltmp2:
0x4d: {  	s31 =	sshrl.u32 s9, $0x3;
	[sflag:s16] =	ssyncadd.s32 $0xFFFFF800;
	(pc) =	sbr.rel @p0 .LBB2_1-.Ltmp2, $4  }
0x4e: {  	[hbm:s14], [sflag:s21] =	dma.local [spmem:s31], $0x800  }
0x4f: {  	_ =	swait.ge [sflag:s16], $0x800  }
0x50: {  	[sflag:s16] =	ssyncset.done $0x0  }
0x51: {  	[sflag:s16] =	ssyncadd.s32 $0xFFFFF800  }
0x52: {  	_ =	sfence.sel $0x180000  }
0x53: {  	[bflag:$0x0] =	sbarrier.arrive $0xFFFF  }
0x54: {  	p0 =	sne.s32 s1, $0x0;
	_ =	strace $0x90000047  }
0x55: {  	s0 =	sadd.s32 @!p0 $0x100000, s0;
	[bflag:$0x2] =	sbarrier.arrive $0xFFFF  }
0x56: {  	[sflag:s0] =	ssyncadd.tile.s32 @!p0 $0x1;
	_ =	shalt  }
.Lfunc_end2:
_tile_overlayer_lowered:
.L_overlay_start_2:
0x57: {  	(tag) =	ssettag $0x2  }
0x58: {  	s0 =	rddreg [dreg:$0x0];
	s2 =	stileid.u32  }
0x59: {  	s1 =	rddreg [dreg:$0x1];
	p0 =	sne.s32 s2, $0x0  }
0x5a: {  	s3 =	rddreg [dreg:$0x2];
	[bflag:$0x3] =	sbarrier.arrive $0xFFFF;
	s2 =	simm.s32 @!p0 $0x1C01  }
0x5b: {  	[timem:s3], [sflag:s2] =	dma.local @!p0 [hbm:s0], s1  }
0x5c: {  	s0 =	simm.s32 @!p0 $0x1  }
0x5d: {  	_ =	swait.ge @!p0 [sflag:s0], s1  }
0x5e: {  	s1 =	ssub.s32 @!p0 $0x0, s1;
	[sflag:s0] =	ssyncset.done @!p0 $0x0  }
0x5f: {  	[sflag:s0] =	ssyncadd.s32 @!p0 s1  }
0x60: {  	[bflag:$0x3] =	sbarrier.arrive $0xFFFF  }
0x61: {  	_ =	shalt  }

</sc_bundles>
